<compile_context>
chip_gen: v7x
topology: tpu7x:2x2x1
jax: 0.10.2.dev20260603
libtpu: 0.0.44.dev20260713+nightly
codegen_flags: <defaults>
</compile_context>

<pallas_src>
import jax
import jax.numpy as jnp
from jax import lax
from jax.experimental import pallas as pl
from jax.experimental.pallas import tpu as pltpu
from jax.experimental.pallas import tpu_sc as plsc

_MAXPOS = 77
_D = 768
_B = 4096
_L = 77
_NC = 2
_NS = 16
_NW = _NC * _NS
_SEQ_W = _B // _NW
_K = 16
_QW = _SEQ_W // _K
_NBUF = 4
_NCHUNK = _L * _QW
_NSTEP = _NCHUNK // _NBUF
_LANES = 16


def _sc_body(table_hbm, ids_hbm, pos_hbm, out_hbm, idx_v, pos_v,
             buf0, buf1, buf2, buf3,
             sg0, sg1, sg2, sg3, ss0, ss1, ss2, ss3):
    bufs = [buf0, buf1, buf2, buf3]
    sg = [sg0, sg1, sg2, sg3]
    ss = [ss0, ss1, ss2, ss3]
    wid = lax.axis_index("s") * _NC + lax.axis_index("c")
    b0 = wid * _SEQ_W

    def start_gather(c, j):
        l = c // _QW
        q = c % _QW
        pltpu.async_copy(
            table_hbm.at[idx_v.at[l, pl.ds(q * _K, _K)]], bufs[j], sg[j]
        )

    def wait_gather(j):
        pltpu.make_async_copy(
            table_hbm.at[idx_v.at[0, pl.ds(0, _K)]], bufs[j], sg[j]
        ).wait()

    def start_store(c, j):
        l = c // _QW
        q = c % _QW
        pltpu.async_copy(
            bufs[j], out_hbm.at[l, pl.ds(b0 + q * _K, _K), :], ss[j]
        )

    def wait_store(c, j):
        l = c // _QW
        q = c % _QW
        pltpu.make_async_copy(
            bufs[j], out_hbm.at[l, pl.ds(b0 + q * _K, _K), :], ss[j]
        ).wait()

    pltpu.sync_copy(pos_hbm, pos_v)
    pltpu.sync_copy(ids_hbm.at[:, pl.ds(b0, _SEQ_W)], idx_v)

    start_gather(0, 0)
    start_gather(1, 1)

    def step(t, carry):
        for j in range(_NBUF):
            c = t * _NBUF + j
            j2 = (j + 2) % _NBUF

            @pl.when(c >= 2)
            def _():
                wait_store(c - 2, j2)

            @pl.when(c + 2 < _NCHUNK)
            def _():
                start_gather(c + 2, j2)

            wait_gather(j)
            l = c // _QW

            @plsc.parallel_loop(0, _D // _LANES, unroll=2)
            def _(k):
                v = pos_v[l, pl.ds(k * _LANES, _LANES)]
                for i in range(_K):
                    plsc.addupdate(bufs[j].at[i, pl.ds(k * _LANES, _LANES)], v)

            start_store(c, j)
        return carry

    lax.fori_loop(0, _NSTEP, step, 0)
    wait_store(_NCHUNK - 2, (_NCHUNK - 2) % _NBUF)
    wait_store(_NCHUNK - 1, (_NCHUNK - 1) % _NBUF)


def kernel(input_ids, token_table, pos_table):
    ids_t = input_ids.T

    mesh = plsc.VectorSubcoreMesh(core_axis_name="c", subcore_axis_name="s")
    run = pl.kernel(
        _sc_body,
        mesh=mesh,
        out_type=jax.ShapeDtypeStruct((_L, _B, _D), jnp.float32),
        compiler_params=pltpu.CompilerParams(use_tc_tiling_on_sc=True),
        scratch_types=[
            pltpu.VMEM((_L, _SEQ_W), jnp.int32),
            pltpu.VMEM((_MAXPOS, _D), jnp.float32),
            pltpu.VMEM((_K, _D), jnp.float32),
            pltpu.VMEM((_K, _D), jnp.float32),
            pltpu.VMEM((_K, _D), jnp.float32),
            pltpu.VMEM((_K, _D), jnp.float32),
            pltpu.SemaphoreType.DMA,
            pltpu.SemaphoreType.DMA,
            pltpu.SemaphoreType.DMA,
            pltpu.SemaphoreType.DMA,
            pltpu.SemaphoreType.DMA,
            pltpu.SemaphoreType.DMA,
            pltpu.SemaphoreType.DMA,
            pltpu.SemaphoreType.DMA,
        ],
    )
    out = run(token_table, ids_t, pos_table)
    return out.transpose(1, 0, 2)

# --- scband reference (transcript-rebuilt; emitter-appended) ---
"""Pipeline reference for scband-cliptext-embeddings-54863912239726 (READ-ONLY COPY).

The authoritative reference and input builder live on the scoring server;
editing this copy changes nothing except your own understanding.
"""

import jax, jax.numpy as jnp
import numpy as np

VOCAB = 49408
MAX_POS = 77
D = 768
B = 4096
L = 77


def setup_inputs(seed: int = 0) -> dict:
    key = jax.random.key(seed)
    k1, k2, k3 = jax.random.split(key, 3)
    input_ids = jax.random.randint(k1, (B, L), 0, VOCAB, dtype=jnp.int32)
    token_table = jax.random.normal(k2, (VOCAB, D), dtype=jnp.float32) * 0.02
    pos_table = jax.random.normal(k3, (MAX_POS, D), dtype=jnp.float32) * 0.02
    return {"input_ids": input_ids, "token_table": token_table, "pos_table": pos_table}


def reference(input_ids, token_table, pos_table):
    # Faithful translation of CLIPTextEmbeddings.forward with position_ids=None,
    # inputs_embeds=None.
    seq_length = input_ids.shape[-1]
    position_ids = jnp.arange(MAX_POS, dtype=jnp.int32)[None, :][:, :seq_length]  # [1, L]
    inputs_embeds = jnp.take(token_table, input_ids, axis=0)           # [B, L, D] gather
    position_embeddings = jnp.take(pos_table, position_ids, axis=0)    # [1, L, D] gather
    embeddings = inputs_embeds + position_embeddings                   # broadcast add
    return embeddings

if __name__ == "__main__":
    import jax
    _d = setup_inputs()
    print(jax.jit(kernel)(*tuple(_d.values())))

</pallas_src>

<mosaic_0001>
#map = affine_map<(d0, d1) -> (0, 0)>
#map1 = affine_map<(d0, d1) -> (0, 0, 0)>
module attributes {stable_mosaic.version = 14 : i64} {
  func.func @_sc_body(%arg0: i32, %arg1: i32, %arg2: memref<49408x768xf32, #tpu.memory_space<hbm>>, %arg3: memref<77x4096xi32, #tpu.memory_space<hbm>>, %arg4: memref<77x768xf32, #tpu.memory_space<hbm>>, %arg5: memref<77x4096x768xf32, #tpu.memory_space<hbm>>, %arg6: memref<77x128xi32, #tpu.memory_space<vmem>>, %arg7: memref<77x768xf32, #tpu.memory_space<vmem>>, %arg8: memref<16x768xf32, #tpu.memory_space<vmem>>, %arg9: memref<16x768xf32, #tpu.memory_space<vmem>>, %arg10: memref<16x768xf32, #tpu.memory_space<vmem>>, %arg11: memref<16x768xf32, #tpu.memory_space<vmem>>, %arg12: memref<!tpu.dma_semaphore, #tpu.memory_space<semaphore_mem>>, %arg13: memref<!tpu.dma_semaphore, #tpu.memory_space<semaphore_mem>>, %arg14: memref<!tpu.dma_semaphore, #tpu.memory_space<semaphore_mem>>, %arg15: memref<!tpu.dma_semaphore, #tpu.memory_space<semaphore_mem>>, %arg16: memref<!tpu.dma_semaphore, #tpu.memory_space<semaphore_mem>>, %arg17: memref<!tpu.dma_semaphore, #tpu.memory_space<semaphore_mem>>, %arg18: memref<!tpu.dma_semaphore, #tpu.memory_space<semaphore_mem>>, %arg19: memref<!tpu.dma_semaphore, #tpu.memory_space<semaphore_mem>>) attributes {dimension_semantics = [#tpu.dimension_semantics<core_parallel>, #tpu.dimension_semantics<subcore_parallel>], iteration_bounds = array<i64: 2, 16>, scalar_prefetch = 0 : i64, scratch_operands = 14 : i64, tpu.core_type = #tpu.core_type<sc_vector_subcore>, window_params = [{transform_indices = #map}, {transform_indices = #map}, {transform_indices = #map}, {transform_indices = #map1}]} {
    %mul3A = arith.constant 2 : i32
    %mul3A_0 = arith.muli %arg1, %mul3A : i32
    %add3A = arith.addi %mul3A_0, %arg0 : i32
    %mul3A_1 = arith.constant 128 : i32
    %mul3A_2 = arith.muli %add3A, %mul3A_1 : i32
    "tpu.region"() ({
      %run_scoped3A = tpu.sem_alloc : memref<!tpu.dma_semaphore, #tpu.memory_space<semaphore_mem>>
      tpu.enqueue_dma source(%arg4 : memref<77x768xf32, #tpu.memory_space<hbm>>) target(%arg7 : memref<77x768xf32, #tpu.memory_space<vmem>>) target_semaphore(%run_scoped3A : memref<!tpu.dma_semaphore, #tpu.memory_space<semaphore_mem>>)
      tpu.wait_dma2 semaphore(%run_scoped3A : memref<!tpu.dma_semaphore, #tpu.memory_space<semaphore_mem>>) src(%arg4 : memref<77x768xf32, #tpu.memory_space<hbm>>) dst(%arg7 : memref<77x768xf32, #tpu.memory_space<vmem>>)
      tpu.yield
    }) : () -> ()
    "tpu.region"() ({
      %run_scoped3A = tpu.sem_alloc : memref<!tpu.dma_semaphore, #tpu.memory_space<semaphore_mem>>
      %dma_start3A_38 = arith.constant 0 : i32
      %dma_start3A_39 = tpu.memref_slice %arg3[%dma_start3A_38, %mul3A_2] : memref<77x4096xi32, #tpu.memory_space<hbm>> -> memref<77x128xi32, #tpu.memory_space<hbm>>
      %dma_start3A_40 = arith.constant 0 : i32
      %dma_start3A_41 = tpu.memref_slice %arg3[%dma_start3A_40, %mul3A_2] : memref<77x4096xi32, #tpu.memory_space<hbm>> -> memref<77x128xi32, #tpu.memory_space<hbm>>
      tpu.enqueue_dma source(%dma_start3A_41 : memref<77x128xi32, #tpu.memory_space<hbm>>) target(%arg6 : memref<77x128xi32, #tpu.memory_space<vmem>>) target_semaphore(%run_scoped3A : memref<!tpu.dma_semaphore, #tpu.memory_space<semaphore_mem>>)
      %dma_wait3A_42 = arith.constant 0 : i32
      %dma_wait3A_43 = tpu.memref_slice %arg3[%dma_wait3A_42, %mul3A_2] : memref<77x4096xi32, #tpu.memory_space<hbm>> -> memref<77x128xi32, #tpu.memory_space<hbm>>
      %dma_wait3A_44 = arith.constant 0 : i32
      %dma_wait3A_45 = tpu.memref_slice %arg3[%dma_wait3A_44, %mul3A_2] : memref<77x4096xi32, #tpu.memory_space<hbm>> -> memref<77x128xi32, #tpu.memory_space<hbm>>
      tpu.wait_dma2 semaphore(%run_scoped3A : memref<!tpu.dma_semaphore, #tpu.memory_space<semaphore_mem>>) src(%dma_wait3A_45 : memref<77x128xi32, #tpu.memory_space<hbm>>) dst(%arg6 : memref<77x128xi32, #tpu.memory_space<vmem>>)
      tpu.yield
    }) : () -> ()
    %dma_start3A = arith.constant 0 : i32
    %dma_start3A_3 = arith.constant 0 : i32
    %dma_start3A_4 = tpu.memref_slice %arg6[%dma_start3A, %dma_start3A_3] : memref<77x128xi32, #tpu.memory_space<vmem>> -> memref<1x16xi32, #tpu.memory_space<vmem>>
    %dma_start3A_5 = tpu.memref_squeeze %dma_start3A_4 : memref<1x16xi32, #tpu.memory_space<vmem>> -> memref<16xi32, #tpu.memory_space<vmem>>
    %dma_start3A_6 = arith.constant 0 : i32
    %dma_start3A_7 = arith.constant 0 : i32
    %dma_start3A_8 = tpu.memref_slice %arg2[%dma_start3A_6, %dma_start3A_7] : memref<49408x768xf32, #tpu.memory_space<hbm>> -> memref<49408x768xf32, #tpu.memory_space<hbm>>
    tpu.enqueue_indirect_dma source(%dma_start3A_8 : memref<49408x768xf32, #tpu.memory_space<hbm>>) target(%arg8 : memref<16x768xf32, #tpu.memory_space<vmem>>) offsets(%dma_start3A_5 : memref<16xi32, #tpu.memory_space<vmem>>) semaphore(%arg12 : memref<!tpu.dma_semaphore, #tpu.memory_space<semaphore_mem>>)
    %dma_start3A_9 = arith.constant 0 : i32
    %dma_start3A_10 = arith.constant 16 : i32
    %dma_start3A_11 = tpu.memref_slice %arg6[%dma_start3A_9, %dma_start3A_10] : memref<77x128xi32, #tpu.memory_space<vmem>> -> memref<1x16xi32, #tpu.memory_space<vmem>>
    %dma_start3A_12 = tpu.memref_squeeze %dma_start3A_11 : memref<1x16xi32, #tpu.memory_space<vmem>> -> memref<16xi32, #tpu.memory_space<vmem>>
    %dma_start3A_13 = arith.constant 0 : i32
    %dma_start3A_14 = arith.constant 0 : i32
    %dma_start3A_15 = tpu.memref_slice %arg2[%dma_start3A_13, %dma_start3A_14] : memref<49408x768xf32, #tpu.memory_space<hbm>> -> memref<49408x768xf32, #tpu.memory_space<hbm>>
    tpu.enqueue_indirect_dma source(%dma_start3A_15 : memref<49408x768xf32, #tpu.memory_space<hbm>>) target(%arg9 : memref<16x768xf32, #tpu.memory_space<vmem>>) offsets(%dma_start3A_12 : memref<16xi32, #tpu.memory_space<vmem>>) semaphore(%arg13 : memref<!tpu.dma_semaphore, #tpu.memory_space<semaphore_mem>>)
    %scan3A = arith.constant 0 : i32
    %scan3A_16 = arith.constant 0 : i32
    %scan3A_17 = arith.constant 154 : i32
    %scan3A_18 = arith.addi %scan3A_16, %scan3A_17 : i32
    %scan3A_19 = arith.constant 1 : i32
    scf.for %scan3A_38 = %scan3A_16 to %scan3A_18 step %scan3A_19  : i32 {
      %mul3A_39 = arith.constant 4 : i32
      %mul3A_40 = arith.muli %scan3A_38, %mul3A_39 : i32
      %add3A_41 = arith.constant 0 : i32
      %add3A_42 = arith.addi %mul3A_40, %add3A_41 : i32
      %ge3A = arith.constant 2 : i32
      %ge3A_43 = arith.cmpi sge, %add3A_42, %ge3A : i32
      %convert_element_type3A = arith.extui %ge3A_43 : i1 to i32
      %cond3A = arith.constant 0 : i32
      %cond3A_44 = arith.cmpi ne, %convert_element_type3A, %cond3A : i32
      scf.if %cond3A_44 {
        %sub3A_421 = arith.constant 2 : i32
        %sub3A_422 = arith.subi %add3A_42, %sub3A_421 : i32
        %jit3A_423 = arith.constant 8 : i32
        %div3A_424 = arith.divsi %sub3A_422, %jit3A_423 : i32
        %sign3A_425 = arith.constant 0 : i32
        %sign3A_426 = arith.cmpi sgt, %sub3A_422, %sign3A_425 : i32
        %sign3A_427 = arith.extui %sign3A_426 : i1 to i32
        %sign3A_428 = arith.constant 0 : i32
        %sign3A_429 = arith.cmpi slt, %sub3A_422, %sign3A_428 : i32
        %sign3A_430 = arith.extui %sign3A_429 : i1 to i32
        %sign3A_431 = arith.subi %sign3A_427, %sign3A_430 : i32
        %sign3A_432 = arith.constant 0 : i32
        %sign3A_433 = arith.cmpi sgt, %jit3A_423, %sign3A_432 : i32
        %sign3A_434 = arith.extui %sign3A_433 : i1 to i32
        %sign3A_435 = arith.constant 0 : i32
        %sign3A_436 = arith.cmpi slt, %jit3A_423, %sign3A_435 : i32
        %sign3A_437 = arith.extui %sign3A_436 : i1 to i32
        %sign3A_438 = arith.subi %sign3A_434, %sign3A_437 : i32
        %ne3A_439 = arith.cmpi ne, %sign3A_431, %sign3A_438 : i32
        %rem3A_440 = arith.remsi %sub3A_422, %jit3A_423 : i32
        %ne3A_441 = arith.constant 0 : i32
        %ne3A_442 = arith.cmpi ne, %rem3A_440, %ne3A_441 : i32
        %and3A_443 = arith.andi %ne3A_439, %ne3A_442 : i1
        %sub3A_444 = arith.constant 1 : i32
        %sub3A_445 = arith.subi %div3A_424, %sub3A_444 : i32
        %select_n3A_446 = arith.select %and3A_443, %sub3A_445, %div3A_424 : i32
        %jit3A_447 = arith.constant 8 : i32
        %eq3A_448 = arith.constant 0 : i32
        %eq3A_449 = arith.cmpi eq, %jit3A_447, %eq3A_448 : i32
        %jit3A_450 = arith.constant 1 : i32
        %select_n3A_451 = arith.select %eq3A_449, %jit3A_450, %jit3A_447 : i32
        %rem3A_452 = arith.remsi %sub3A_422, %select_n3A_451 : i32
        %ne3A_453 = arith.constant 0 : i32
        %ne3A_454 = arith.cmpi ne, %rem3A_452, %ne3A_453 : i32
        %lt3A_455 = arith.constant 0 : i32
        %lt3A_456 = arith.cmpi slt, %rem3A_452, %lt3A_455 : i32
        %lt3A_457 = arith.constant 0 : i32
        %lt3A_458 = arith.cmpi slt, %select_n3A_451, %lt3A_457 : i32
        %ne3A_459 = arith.xori %lt3A_456, %lt3A_458 : i1
        %and3A_460 = arith.andi %ne3A_459, %ne3A_454 : i1
        %add3A_461 = arith.addi %rem3A_452, %select_n3A_451 : i32
        %select_n3A_462 = arith.select %and3A_460, %add3A_461, %rem3A_452 : i32
        %mul3A_463 = arith.constant 16 : i32
        %mul3A_464 = arith.muli %select_n3A_462, %mul3A_463 : i32
        %add3A_465 = arith.addi %mul3A_2, %mul3A_464 : i32
        %dma_wait3A_466 = arith.constant 0 : i32
        %dma_wait3A_467 = tpu.memref_slice %arg5[%select_n3A_446, %add3A_465, %dma_wait3A_466] : memref<77x4096x768xf32, #tpu.memory_space<hbm>> -> memref<1x16x768xf32, #tpu.memory_space<hbm>>
        %dma_wait3A_468 = tpu.memref_squeeze %dma_wait3A_467 : memref<1x16x768xf32, #tpu.memory_space<hbm>> -> memref<16x768xf32, #tpu.memory_space<hbm>>
        %dma_wait3A_469 = arith.constant 0 : i32
        %dma_wait3A_470 = tpu.memref_slice %arg5[%select_n3A_446, %add3A_465, %dma_wait3A_469] : memref<77x4096x768xf32, #tpu.memory_space<hbm>> -> memref<1x16x768xf32, #tpu.memory_space<hbm>>
        %dma_wait3A_471 = tpu.memref_squeeze %dma_wait3A_470 : memref<1x16x768xf32, #tpu.memory_space<hbm>> -> memref<16x768xf32, #tpu.memory_space<hbm>>
        tpu.wait_dma2 semaphore(%arg18 : memref<!tpu.dma_semaphore, #tpu.memory_space<semaphore_mem>>) src(%arg10 : memref<16x768xf32, #tpu.memory_space<vmem>>) dst(%dma_wait3A_471 : memref<16x768xf32, #tpu.memory_space<hbm>>)
      } else {
      }
      %add3A_45 = arith.constant 2 : i32
      %add3A_46 = arith.addi %add3A_42, %add3A_45 : i32
      %lt3A = arith.constant 616 : i32
      %lt3A_47 = arith.cmpi slt, %add3A_46, %lt3A : i32
      %convert_element_type3A_48 = arith.extui %lt3A_47 : i1 to i32
      %cond3A_49 = arith.constant 0 : i32
      %cond3A_50 = arith.cmpi ne, %convert_element_type3A_48, %cond3A_49 : i32
      scf.if %cond3A_50 {
        %add3A_421 = arith.constant 2 : i32
        %add3A_422 = arith.addi %add3A_42, %add3A_421 : i32
        %jit3A_423 = arith.constant 8 : i32
        %div3A_424 = arith.divsi %add3A_422, %jit3A_423 : i32
        %sign3A_425 = arith.constant 0 : i32
        %sign3A_426 = arith.cmpi sgt, %add3A_422, %sign3A_425 : i32
        %sign3A_427 = arith.extui %sign3A_426 : i1 to i32
        %sign3A_428 = arith.constant 0 : i32
        %sign3A_429 = arith.cmpi slt, %add3A_422, %sign3A_428 : i32
        %sign3A_430 = arith.extui %sign3A_429 : i1 to i32
        %sign3A_431 = arith.subi %sign3A_427, %sign3A_430 : i32
        %sign3A_432 = arith.constant 0 : i32
        %sign3A_433 = arith.cmpi sgt, %jit3A_423, %sign3A_432 : i32
        %sign3A_434 = arith.extui %sign3A_433 : i1 to i32
        %sign3A_435 = arith.constant 0 : i32
        %sign3A_436 = arith.cmpi slt, %jit3A_423, %sign3A_435 : i32
        %sign3A_437 = arith.extui %sign3A_436 : i1 to i32
        %sign3A_438 = arith.subi %sign3A_434, %sign3A_437 : i32
        %ne3A_439 = arith.cmpi ne, %sign3A_431, %sign3A_438 : i32
        %rem3A_440 = arith.remsi %add3A_422, %jit3A_423 : i32
        %ne3A_441 = arith.constant 0 : i32
        %ne3A_442 = arith.cmpi ne, %rem3A_440, %ne3A_441 : i32
        %and3A_443 = arith.andi %ne3A_439, %ne3A_442 : i1
        %sub3A_444 = arith.constant 1 : i32
        %sub3A_445 = arith.subi %div3A_424, %sub3A_444 : i32
        %select_n3A_446 = arith.select %and3A_443, %sub3A_445, %div3A_424 : i32
        %jit3A_447 = arith.constant 8 : i32
        %eq3A_448 = arith.constant 0 : i32
        %eq3A_449 = arith.cmpi eq, %jit3A_447, %eq3A_448 : i32
        %jit3A_450 = arith.constant 1 : i32
        %select_n3A_451 = arith.select %eq3A_449, %jit3A_450, %jit3A_447 : i32
        %rem3A_452 = arith.remsi %add3A_422, %select_n3A_451 : i32
        %ne3A_453 = arith.constant 0 : i32
        %ne3A_454 = arith.cmpi ne, %rem3A_452, %ne3A_453 : i32
        %lt3A_455 = arith.constant 0 : i32
        %lt3A_456 = arith.cmpi slt, %rem3A_452, %lt3A_455 : i32
        %lt3A_457 = arith.constant 0 : i32
        %lt3A_458 = arith.cmpi slt, %select_n3A_451, %lt3A_457 : i32
        %ne3A_459 = arith.xori %lt3A_456, %lt3A_458 : i1
        %and3A_460 = arith.andi %ne3A_459, %ne3A_454 : i1
        %add3A_461 = arith.addi %rem3A_452, %select_n3A_451 : i32
        %select_n3A_462 = arith.select %and3A_460, %add3A_461, %rem3A_452 : i32
        %mul3A_463 = arith.constant 16 : i32
        %mul3A_464 = arith.muli %select_n3A_462, %mul3A_463 : i32
        %dma_start3A_465 = tpu.memref_slice %arg6[%select_n3A_446, %mul3A_464] : memref<77x128xi32, #tpu.memory_space<vmem>> -> memref<1x16xi32, #tpu.memory_space<vmem>>
        %dma_start3A_466 = tpu.memref_squeeze %dma_start3A_465 : memref<1x16xi32, #tpu.memory_space<vmem>> -> memref<16xi32, #tpu.memory_space<vmem>>
        %dma_start3A_467 = arith.constant 0 : i32
        %dma_start3A_468 = arith.constant 0 : i32
        %dma_start3A_469 = tpu.memref_slice %arg2[%dma_start3A_467, %dma_start3A_468] : memref<49408x768xf32, #tpu.memory_space<hbm>> -> memref<49408x768xf32, #tpu.memory_space<hbm>>
        tpu.enqueue_indirect_dma source(%dma_start3A_469 : memref<49408x768xf32, #tpu.memory_space<hbm>>) target(%arg10 : memref<16x768xf32, #tpu.memory_space<vmem>>) offsets(%dma_start3A_466 : memref<16xi32, #tpu.memory_space<vmem>>) semaphore(%arg14 : memref<!tpu.dma_semaphore, #tpu.memory_space<semaphore_mem>>)
      } else {
      }
      %dma_wait3A_51 = arith.constant 0 : i32
      %dma_wait3A_52 = arith.constant 0 : i32
      %dma_wait3A_53 = tpu.memref_slice %arg6[%dma_wait3A_51, %dma_wait3A_52] : memref<77x128xi32, #tpu.memory_space<vmem>> -> memref<1x16xi32, #tpu.memory_space<vmem>>
      %dma_wait3A_54 = tpu.memref_squeeze %dma_wait3A_53 : memref<1x16xi32, #tpu.memory_space<vmem>> -> memref<16xi32, #tpu.memory_space<vmem>>
      %dma_wait3A_55 = arith.constant 0 : i32
      %dma_wait3A_56 = arith.constant 0 : i32
      %dma_wait3A_57 = tpu.memref_slice %arg2[%dma_wait3A_55, %dma_wait3A_56] : memref<49408x768xf32, #tpu.memory_space<hbm>> -> memref<49408x768xf32, #tpu.memory_space<hbm>>
      tpu.wait_indirect_dma semaphore(%arg12 : memref<!tpu.dma_semaphore, #tpu.memory_space<semaphore_mem>>) src(%dma_wait3A_57 : memref<49408x768xf32, #tpu.memory_space<hbm>>) dst(%arg8 : memref<16x768xf32, #tpu.memory_space<vmem>>)
      %jit3A = arith.constant 8 : i32
      %div3A = arith.divsi %add3A_42, %jit3A : i32
      %sign3A = arith.constant 0 : i32
      %sign3A_58 = arith.cmpi sgt, %add3A_42, %sign3A : i32
      %sign3A_59 = arith.extui %sign3A_58 : i1 to i32
      %sign3A_60 = arith.constant 0 : i32
      %sign3A_61 = arith.cmpi slt, %add3A_42, %sign3A_60 : i32
      %sign3A_62 = arith.extui %sign3A_61 : i1 to i32
      %sign3A_63 = arith.subi %sign3A_59, %sign3A_62 : i32
      %sign3A_64 = arith.constant 0 : i32
      %sign3A_65 = arith.cmpi sgt, %jit3A, %sign3A_64 : i32
      %sign3A_66 = arith.extui %sign3A_65 : i1 to i32
      %sign3A_67 = arith.constant 0 : i32
      %sign3A_68 = arith.cmpi slt, %jit3A, %sign3A_67 : i32
      %sign3A_69 = arith.extui %sign3A_68 : i1 to i32
      %sign3A_70 = arith.subi %sign3A_66, %sign3A_69 : i32
      %ne3A = arith.cmpi ne, %sign3A_63, %sign3A_70 : i32
      %rem3A = arith.remsi %add3A_42, %jit3A : i32
      %ne3A_71 = arith.constant 0 : i32
      %ne3A_72 = arith.cmpi ne, %rem3A, %ne3A_71 : i32
      %and3A = arith.andi %ne3A, %ne3A_72 : i1
      %sub3A = arith.constant 1 : i32
      %sub3A_73 = arith.subi %div3A, %sub3A : i32
      %select_n3A = arith.select %and3A, %sub3A_73, %div3A : i32
      %parallel_loop3A = arith.constant 0 : i32
      %parallel_loop3A_74 = arith.constant 48 : i32
      %parallel_loop3A_75 = arith.constant 1 : i32
      scf.for %parallel_loop3A_421 = %parallel_loop3A to %parallel_loop3A_74 step %parallel_loop3A_75  : i32 {
        %parallel_loop3A_422 = arith.constant 16 : i32
        %parallel_loop3A_423 = arith.muli %parallel_loop3A_421, %parallel_loop3A_422 : i32
        %parallel_loop3A_424 = arith.index_cast %select_n3A : i32 to index
        %parallel_loop3A_425 = arith.index_cast %parallel_loop3A_423 : i32 to index
        %parallel_loop3A_426 = tpu.vector_load %arg7[%parallel_loop3A_424, %parallel_loop3A_425] {strides = array<i32>} : memref<77x768xf32, #tpu.memory_space<vmem>>, vector<1x16xf32>,
        %parallel_loop3A_427 = vector.shape_cast %parallel_loop3A_426 : vector<1x16xf32> to vector<16xf32>
        %parallel_loop3A_428 = arith.constant 16 : i32
        %parallel_loop3A_429 = arith.muli %parallel_loop3A_421, %parallel_loop3A_428 : i32
        %parallel_loop3A_430 = arith.constant 0 : i32
        %parallel_loop3A_431 = arith.index_cast %parallel_loop3A_430 : i32 to index
        %parallel_loop3A_432 = arith.index_cast %parallel_loop3A_429 : i32 to index
        %parallel_loop3A_433 = tpu.vector_load %arg8[%parallel_loop3A_431, %parallel_loop3A_432] {strides = array<i32>} : memref<16x768xf32, #tpu.memory_space<vmem>>, vector<1x16xf32>,
        %parallel_loop3A_434 = vector.shape_cast %parallel_loop3A_433 : vector<1x16xf32> to vector<16xf32>
        %parallel_loop3A_435 = vector.shape_cast %parallel_loop3A_427 : vector<16xf32> to vector<1x16xf32>
        tpu.vector_store %arg8[%parallel_loop3A_431, %parallel_loop3A_432], %parallel_loop3A_435 {add = true, strides = array<i32>} : memref<16x768xf32, #tpu.memory_space<vmem>>, vector<1x16xf32>,
        %parallel_loop3A_436 = arith.constant 16 : i32
        %parallel_loop3A_437 = arith.muli %parallel_loop3A_421, %parallel_loop3A_436 : i32
        %parallel_loop3A_438 = arith.constant 1 : i32
        %parallel_loop3A_439 = arith.index_cast %parallel_loop3A_438 : i32 to index
        %parallel_loop3A_440 = arith.index_cast %parallel_loop3A_437 : i32 to index
        %parallel_loop3A_441 = tpu.vector_load %arg8[%parallel_loop3A_439, %parallel_loop3A_440] {strides = array<i32>} : memref<16x768xf32, #tpu.memory_space<vmem>>, vector<1x16xf32>,
        %parallel_loop3A_442 = vector.shape_cast %parallel_loop3A_441 : vector<1x16xf32> to vector<16xf32>
        %parallel_loop3A_443 = vector.shape_cast %parallel_loop3A_427 : vector<16xf32> to vector<1x16xf32>
        tpu.vector_store %arg8[%parallel_loop3A_439, %parallel_loop3A_440], %parallel_loop3A_443 {add = true, strides = array<i32>} : memref<16x768xf32, #tpu.memory_space<vmem>>, vector<1x16xf32>,
        %parallel_loop3A_444 = arith.constant 16 : i32
        %parallel_loop3A_445 = arith.muli %parallel_loop3A_421, %parallel_loop3A_444 : i32
        %parallel_loop3A_446 = arith.constant 2 : i32
        %parallel_loop3A_447 = arith.index_cast %parallel_loop3A_446 : i32 to index
        %parallel_loop3A_448 = arith.index_cast %parallel_loop3A_445 : i32 to index
        %parallel_loop3A_449 = tpu.vector_load %arg8[%parallel_loop3A_447, %parallel_loop3A_448] {strides = array<i32>} : memref<16x768xf32, #tpu.memory_space<vmem>>, vector<1x16xf32>,
        %parallel_loop3A_450 = vector.shape_cast %parallel_loop3A_449 : vector<1x16xf32> to vector<16xf32>
        %parallel_loop3A_451 = vector.shape_cast %parallel_loop3A_427 : vector<16xf32> to vector<1x16xf32>
        tpu.vector_store %arg8[%parallel_loop3A_447, %parallel_loop3A_448], %parallel_loop3A_451 {add = true, strides = array<i32>} : memref<16x768xf32, #tpu.memory_space<vmem>>, vector<1x16xf32>,
        %parallel_loop3A_452 = arith.constant 16 : i32
        %parallel_loop3A_453 = arith.muli %parallel_loop3A_421, %parallel_loop3A_452 : i32
        %parallel_loop3A_454 = arith.constant 3 : i32
        %parallel_loop3A_455 = arith.index_cast %parallel_loop3A_454 : i32 to index
        %parallel_loop3A_456 = arith.index_cast %parallel_loop3A_453 : i32 to index
        %parallel_loop3A_457 = tpu.vector_load %arg8[%parallel_loop3A_455, %parallel_loop3A_456] {strides = array<i32>} : memref<16x768xf32, #tpu.memory_space<vmem>>, vector<1x16xf32>,
        %parallel_loop3A_458 = vector.shape_cast %parallel_loop3A_457 : vector<1x16xf32> to vector<16xf32>
        %parallel_loop3A_459 = vector.shape_cast %parallel_loop3A_427 : vector<16xf32> to vector<1x16xf32>
        tpu.vector_store %arg8[%parallel_loop3A_455, %parallel_loop3A_456], %parallel_loop3A_459 {add = true, strides = array<i32>} : memref<16x768xf32, #tpu.memory_space<vmem>>, vector<1x16xf32>,
        %parallel_loop3A_460 = arith.constant 16 : i32
        %parallel_loop3A_461 = arith.muli %parallel_loop3A_421, %parallel_loop3A_460 : i32
        %parallel_loop3A_462 = arith.constant 4 : i32
        %parallel_loop3A_463 = arith.index_cast %parallel_loop3A_462 : i32 to index
        %parallel_loop3A_464 = arith.index_cast %parallel_loop3A_461 : i32 to index
        %parallel_loop3A_465 = tpu.vector_load %arg8[%parallel_loop3A_463, %parallel_loop3A_464] {strides = array<i32>} : memref<16x768xf32, #tpu.memory_space<vmem>>, vector<1x16xf32>,
        %parallel_loop3A_466 = vector.shape_cast %parallel_loop3A_465 : vector<1x16xf32> to vector<16xf32>
        %parallel_loop3A_467 = vector.shape_cast %parallel_loop3A_427 : vector<16xf32> to vector<1x16xf32>
        tpu.vector_store %arg8[%parallel_loop3A_463, %parallel_loop3A_464], %parallel_loop3A_467 {add = true, strides = array<i32>} : memref<16x768xf32, #tpu.memory_space<vmem>>, vector<1x16xf32>,
        %parallel_loop3A_468 = arith.constant 16 : i32
        %parallel_loop3A_469 = arith.muli %parallel_loop3A_421, %parallel_loop3A_468 : i32
        %parallel_loop3A_470 = arith.constant 5 : i32
        %parallel_loop3A_471 = arith.index_cast %parallel_loop3A_470 : i32 to index
        %parallel_loop3A_472 = arith.index_cast %parallel_loop3A_469 : i32 to index
        %parallel_loop3A_473 = tpu.vector_load %arg8[%parallel_loop3A_471, %parallel_loop3A_472] {strides = array<i32>} : memref<16x768xf32, #tpu.memory_space<vmem>>, vector<1x16xf32>,
        %parallel_loop3A_474 = vector.shape_cast %parallel_loop3A_473 : vector<1x16xf32> to vector<16xf32>
        %parallel_loop3A_475 = vector.shape_cast %parallel_loop3A_427 : vector<16xf32> to vector<1x16xf32>
        tpu.vector_store %arg8[%parallel_loop3A_471, %parallel_loop3A_472], %parallel_loop3A_475 {add = true, strides = array<i32>} : memref<16x768xf32, #tpu.memory_space<vmem>>, vector<1x16xf32>,
        %parallel_loop3A_476 = arith.constant 16 : i32
        %parallel_loop3A_477 = arith.muli %parallel_loop3A_421, %parallel_loop3A_476 : i32
        %parallel_loop3A_478 = arith.constant 6 : i32
        %parallel_loop3A_479 = arith.index_cast %parallel_loop3A_478 : i32 to index
        %parallel_loop3A_480 = arith.index_cast %parallel_loop3A_477 : i32 to index
        %parallel_loop3A_481 = tpu.vector_load %arg8[%parallel_loop3A_479, %parallel_loop3A_480] {strides = array<i32>} : memref<16x768xf32, #tpu.memory_space<vmem>>, vector<1x16xf32>,
        %parallel_loop3A_482 = vector.shape_cast %parallel_loop3A_481 : vector<1x16xf32> to vector<16xf32>
        %parallel_loop3A_483 = vector.shape_cast %parallel_loop3A_427 : vector<16xf32> to vector<1x16xf32>
        tpu.vector_store %arg8[%parallel_loop3A_479, %parallel_loop3A_480], %parallel_loop3A_483 {add = true, strides = array<i32>} : memref<16x768xf32, #tpu.memory_space<vmem>>, vector<1x16xf32>,
        %parallel_loop3A_484 = arith.constant 16 : i32
        %parallel_loop3A_485 = arith.muli %parallel_loop3A_421, %parallel_loop3A_484 : i32
        %parallel_loop3A_486 = arith.constant 7 : i32
        %parallel_loop3A_487 = arith.index_cast %parallel_loop3A_486 : i32 to index
        %parallel_loop3A_488 = arith.index_cast %parallel_loop3A_485 : i32 to index
        %parallel_loop3A_489 = tpu.vector_load %arg8[%parallel_loop3A_487, %parallel_loop3A_488] {strides = array<i32>} : memref<16x768xf32, #tpu.memory_space<vmem>>, vector<1x16xf32>,
        %parallel_loop3A_490 = vector.shape_cast %parallel_loop3A_489 : vector<1x16xf32> to vector<16xf32>
        %parallel_loop3A_491 = vector.shape_cast %parallel_loop3A_427 : vector<16xf32> to vector<1x16xf32>
        tpu.vector_store %arg8[%parallel_loop3A_487, %parallel_loop3A_488], %parallel_loop3A_491 {add = true, strides = array<i32>} : memref<16x768xf32, #tpu.memory_space<vmem>>, vector<1x16xf32>,
        %parallel_loop3A_492 = arith.constant 16 : i32
        %parallel_loop3A_493 = arith.muli %parallel_loop3A_421, %parallel_loop3A_492 : i32
        %parallel_loop3A_494 = arith.constant 8 : i32
        %parallel_loop3A_495 = arith.index_cast %parallel_loop3A_494 : i32 to index
        %parallel_loop3A_496 = arith.index_cast %parallel_loop3A_493 : i32 to index
        %parallel_loop3A_497 = tpu.vector_load %arg8[%parallel_loop3A_495, %parallel_loop3A_496] {strides = array<i32>} : memref<16x768xf32, #tpu.memory_space<vmem>>, vector<1x16xf32>,
        %parallel_loop3A_498 = vector.shape_cast %parallel_loop3A_497 : vector<1x16xf32> to vector<16xf32>
        %parallel_loop3A_499 = vector.shape_cast %parallel_loop3A_427 : vector<16xf32> to vector<1x16xf32>
        tpu.vector_store %arg8[%parallel_loop3A_495, %parallel_loop3A_496], %parallel_loop3A_499 {add = true, strides = array<i32>} : memref<16x768xf32, #tpu.memory_space<vmem>>, vector<1x16xf32>,
        %parallel_loop3A_500 = arith.constant 16 : i32
        %parallel_loop3A_501 = arith.muli %parallel_loop3A_421, %parallel_loop3A_500 : i32
        %parallel_loop3A_502 = arith.constant 9 : i32
        %parallel_loop3A_503 = arith.index_cast %parallel_loop3A_502 : i32 to index
        %parallel_loop3A_504 = arith.index_cast %parallel_loop3A_501 : i32 to index
        %parallel_loop3A_505 = tpu.vector_load %arg8[%parallel_loop3A_503, %parallel_loop3A_504] {strides = array<i32>} : memref<16x768xf32, #tpu.memory_space<vmem>>, vector<1x16xf32>,
        %parallel_loop3A_506 = vector.shape_cast %parallel_loop3A_505 : vector<1x16xf32> to vector<16xf32>
        %parallel_loop3A_507 = vector.shape_cast %parallel_loop3A_427 : vector<16xf32> to vector<1x16xf32>
        tpu.vector_store %arg8[%parallel_loop3A_503, %parallel_loop3A_504], %parallel_loop3A_507 {add = true, strides = array<i32>} : memref<16x768xf32, #tpu.memory_space<vmem>>, vector<1x16xf32>,
        %parallel_loop3A_508 = arith.constant 16 : i32
        %parallel_loop3A_509 = arith.muli %parallel_loop3A_421, %parallel_loop3A_508 : i32
        %parallel_loop3A_510 = arith.constant 10 : i32
        %parallel_loop3A_511 = arith.index_cast %parallel_loop3A_510 : i32 to index
        %parallel_loop3A_512 = arith.index_cast %parallel_loop3A_509 : i32 to index
        %parallel_loop3A_513 = tpu.vector_load %arg8[%parallel_loop3A_511, %parallel_loop3A_512] {strides = array<i32>} : memref<16x768xf32, #tpu.memory_space<vmem>>, vector<1x16xf32>,
        %parallel_loop3A_514 = vector.shape_cast %parallel_loop3A_513 : vector<1x16xf32> to vector<16xf32>
        %parallel_loop3A_515 = vector.shape_cast %parallel_loop3A_427 : vector<16xf32> to vector<1x16xf32>
        tpu.vector_store %arg8[%parallel_loop3A_511, %parallel_loop3A_512], %parallel_loop3A_515 {add = true, strides = array<i32>} : memref<16x768xf32, #tpu.memory_space<vmem>>, vector<1x16xf32>,
        %parallel_loop3A_516 = arith.constant 16 : i32
        %parallel_loop3A_517 = arith.muli %parallel_loop3A_421, %parallel_loop3A_516 : i32
        %parallel_loop3A_518 = arith.constant 11 : i32
        %parallel_loop3A_519 = arith.index_cast %parallel_loop3A_518 : i32 to index
        %parallel_loop3A_520 = arith.index_cast %parallel_loop3A_517 : i32 to index
        %parallel_loop3A_521 = tpu.vector_load %arg8[%parallel_loop3A_519, %parallel_loop3A_520] {strides = array<i32>} : memref<16x768xf32, #tpu.memory_space<vmem>>, vector<1x16xf32>,
        %parallel_loop3A_522 = vector.shape_cast %parallel_loop3A_521 : vector<1x16xf32> to vector<16xf32>
        %parallel_loop3A_523 = vector.shape_cast %parallel_loop3A_427 : vector<16xf32> to vector<1x16xf32>
        tpu.vector_store %arg8[%parallel_loop3A_519, %parallel_loop3A_520], %parallel_loop3A_523 {add = true, strides = array<i32>} : memref<16x768xf32, #tpu.memory_space<vmem>>, vector<1x16xf32>,
        %parallel_loop3A_524 = arith.constant 16 : i32
        %parallel_loop3A_525 = arith.muli %parallel_loop3A_421, %parallel_loop3A_524 : i32
        %parallel_loop3A_526 = arith.constant 12 : i32
        %parallel_loop3A_527 = arith.index_cast %parallel_loop3A_526 : i32 to index
        %parallel_loop3A_528 = arith.index_cast %parallel_loop3A_525 : i32 to index
        %parallel_loop3A_529 = tpu.vector_load %arg8[%parallel_loop3A_527, %parallel_loop3A_528] {strides = array<i32>} : memref<16x768xf32, #tpu.memory_space<vmem>>, vector<1x16xf32>,
        %parallel_loop3A_530 = vector.shape_cast %parallel_loop3A_529 : vector<1x16xf32> to vector<16xf32>
        %parallel_loop3A_531 = vector.shape_cast %parallel_loop3A_427 : vector<16xf32> to vector<1x16xf32>
        tpu.vector_store %arg8[%parallel_loop3A_527, %parallel_loop3A_528], %parallel_loop3A_531 {add = true, strides = array<i32>} : memref<16x768xf32, #tpu.memory_space<vmem>>, vector<1x16xf32>,
        %parallel_loop3A_532 = arith.constant 16 : i32
        %parallel_loop3A_533 = arith.muli %parallel_loop3A_421, %parallel_loop3A_532 : i32
        %parallel_loop3A_534 = arith.constant 13 : i32
        %parallel_loop3A_535 = arith.index_cast %parallel_loop3A_534 : i32 to index
        %parallel_loop3A_536 = arith.index_cast %parallel_loop3A_533 : i32 to index
        %parallel_loop3A_537 = tpu.vector_load %arg8[%parallel_loop3A_535, %parallel_loop3A_536] {strides = array<i32>} : memref<16x768xf32, #tpu.memory_space<vmem>>, vector<1x16xf32>,
        %parallel_loop3A_538 = vector.shape_cast %parallel_loop3A_537 : vector<1x16xf32> to vector<16xf32>
        %parallel_loop3A_539 = vector.shape_cast %parallel_loop3A_427 : vector<16xf32> to vector<1x16xf32>
        tpu.vector_store %arg8[%parallel_loop3A_535, %parallel_loop3A_536], %parallel_loop3A_539 {add = true, strides = array<i32>} : memref<16x768xf32, #tpu.memory_space<vmem>>, vector<1x16xf32>,
        %parallel_loop3A_540 = arith.constant 16 : i32
        %parallel_loop3A_541 = arith.muli %parallel_loop3A_421, %parallel_loop3A_540 : i32
        %parallel_loop3A_542 = arith.constant 14 : i32
        %parallel_loop3A_543 = arith.index_cast %parallel_loop3A_542 : i32 to index
        %parallel_loop3A_544 = arith.index_cast %parallel_loop3A_541 : i32 to index
        %parallel_loop3A_545 = tpu.vector_load %arg8[%parallel_loop3A_543, %parallel_loop3A_544] {strides = array<i32>} : memref<16x768xf32, #tpu.memory_space<vmem>>, vector<1x16xf32>,
        %parallel_loop3A_546 = vector.shape_cast %parallel_loop3A_545 : vector<1x16xf32> to vector<16xf32>
        %parallel_loop3A_547 = vector.shape_cast %parallel_loop3A_427 : vector<16xf32> to vector<1x16xf32>
        tpu.vector_store %arg8[%parallel_loop3A_543, %parallel_loop3A_544], %parallel_loop3A_547 {add = true, strides = array<i32>} : memref<16x768xf32, #tpu.memory_space<vmem>>, vector<1x16xf32>,
        %parallel_loop3A_548 = arith.constant 16 : i32
        %parallel_loop3A_549 = arith.muli %parallel_loop3A_421, %parallel_loop3A_548 : i32
        %parallel_loop3A_550 = arith.constant 15 : i32
        %parallel_loop3A_551 = arith.index_cast %parallel_loop3A_550 : i32 to index
        %parallel_loop3A_552 = arith.index_cast %parallel_loop3A_549 : i32 to index
        %parallel_loop3A_553 = tpu.vector_load %arg8[%parallel_loop3A_551, %parallel_loop3A_552] {strides = array<i32>} : memref<16x768xf32, #tpu.memory_space<vmem>>, vector<1x16xf32>,
        %parallel_loop3A_554 = vector.shape_cast %parallel_loop3A_553 : vector<1x16xf32> to vector<16xf32>
        %parallel_loop3A_555 = vector.shape_cast %parallel_loop3A_427 : vector<16xf32> to vector<1x16xf32>
        tpu.vector_store %arg8[%parallel_loop3A_551, %parallel_loop3A_552], %parallel_loop3A_555 {add = true, strides = array<i32>} : memref<16x768xf32, #tpu.memory_space<vmem>>, vector<1x16xf32>,
      } {sc.loop_unroll_factor = 2 : i64, sc.parallel_access}
      %jit3A_76 = arith.constant 8 : i32
      %div3A_77 = arith.divsi %add3A_42, %jit3A_76 : i32
      %sign3A_78 = arith.constant 0 : i32
      %sign3A_79 = arith.cmpi sgt, %add3A_42, %sign3A_78 : i32
      %sign3A_80 = arith.extui %sign3A_79 : i1 to i32
      %sign3A_81 = arith.constant 0 : i32
      %sign3A_82 = arith.cmpi slt, %add3A_42, %sign3A_81 : i32
      %sign3A_83 = arith.extui %sign3A_82 : i1 to i32
      %sign3A_84 = arith.subi %sign3A_80, %sign3A_83 : i32
      %sign3A_85 = arith.constant 0 : i32
      %sign3A_86 = arith.cmpi sgt, %jit3A_76, %sign3A_85 : i32
      %sign3A_87 = arith.extui %sign3A_86 : i1 to i32
      %sign3A_88 = arith.constant 0 : i32
      %sign3A_89 = arith.cmpi slt, %jit3A_76, %sign3A_88 : i32
      %sign3A_90 = arith.extui %sign3A_89 : i1 to i32
      %sign3A_91 = arith.subi %sign3A_87, %sign3A_90 : i32
      %ne3A_92 = arith.cmpi ne, %sign3A_84, %sign3A_91 : i32
      %rem3A_93 = arith.remsi %add3A_42, %jit3A_76 : i32
      %ne3A_94 = arith.constant 0 : i32
      %ne3A_95 = arith.cmpi ne, %rem3A_93, %ne3A_94 : i32
      %and3A_96 = arith.andi %ne3A_92, %ne3A_95 : i1
      %sub3A_97 = arith.constant 1 : i32
      %sub3A_98 = arith.subi %div3A_77, %sub3A_97 : i32
      %select_n3A_99 = arith.select %and3A_96, %sub3A_98, %div3A_77 : i32
      %jit3A_100 = arith.constant 8 : i32
      %eq3A = arith.constant 0 : i32
      %eq3A_101 = arith.cmpi eq, %jit3A_100, %eq3A : i32
      %jit3A_102 = arith.constant 1 : i32
      %select_n3A_103 = arith.select %eq3A_101, %jit3A_102, %jit3A_100 : i32
      %rem3A_104 = arith.remsi %add3A_42, %select_n3A_103 : i32
      %ne3A_105 = arith.constant 0 : i32
      %ne3A_106 = arith.cmpi ne, %rem3A_104, %ne3A_105 : i32
      %lt3A_107 = arith.constant 0 : i32
      %lt3A_108 = arith.cmpi slt, %rem3A_104, %lt3A_107 : i32
      %lt3A_109 = arith.constant 0 : i32
      %lt3A_110 = arith.cmpi slt, %select_n3A_103, %lt3A_109 : i32
      %ne3A_111 = arith.xori %lt3A_108, %lt3A_110 : i1
      %and3A_112 = arith.andi %ne3A_111, %ne3A_106 : i1
      %add3A_113 = arith.addi %rem3A_104, %select_n3A_103 : i32
      %select_n3A_114 = arith.select %and3A_112, %add3A_113, %rem3A_104 : i32
      %mul3A_115 = arith.constant 16 : i32
      %mul3A_116 = arith.muli %select_n3A_114, %mul3A_115 : i32
      %add3A_117 = arith.addi %mul3A_2, %mul3A_116 : i32
      %dma_start3A_118 = arith.constant 0 : i32
      %dma_start3A_119 = tpu.memref_slice %arg5[%select_n3A_99, %add3A_117, %dma_start3A_118] : memref<77x4096x768xf32, #tpu.memory_space<hbm>> -> memref<1x16x768xf32, #tpu.memory_space<hbm>>
      %dma_start3A_120 = tpu.memref_squeeze %dma_start3A_119 : memref<1x16x768xf32, #tpu.memory_space<hbm>> -> memref<16x768xf32, #tpu.memory_space<hbm>>
      %dma_start3A_121 = arith.constant 0 : i32
      %dma_start3A_122 = tpu.memref_slice %arg5[%select_n3A_99, %add3A_117, %dma_start3A_121] : memref<77x4096x768xf32, #tpu.memory_space<hbm>> -> memref<1x16x768xf32, #tpu.memory_space<hbm>>
      %dma_start3A_123 = tpu.memref_squeeze %dma_start3A_122 : memref<1x16x768xf32, #tpu.memory_space<hbm>> -> memref<16x768xf32, #tpu.memory_space<hbm>>
      tpu.enqueue_dma source(%arg8 : memref<16x768xf32, #tpu.memory_space<vmem>>) target(%dma_start3A_123 : memref<16x768xf32, #tpu.memory_space<hbm>>) target_semaphore(%arg16 : memref<!tpu.dma_semaphore, #tpu.memory_space<semaphore_mem>>)
      %mul3A_124 = arith.constant 4 : i32
      %mul3A_125 = arith.muli %scan3A_38, %mul3A_124 : i32
      %add3A_126 = arith.constant 1 : i32
      %add3A_127 = arith.addi %mul3A_125, %add3A_126 : i32
      %ge3A_128 = arith.constant 2 : i32
      %ge3A_129 = arith.cmpi sge, %add3A_127, %ge3A_128 : i32
      %convert_element_type3A_130 = arith.extui %ge3A_129 : i1 to i32
      %cond3A_131 = arith.constant 0 : i32
      %cond3A_132 = arith.cmpi ne, %convert_element_type3A_130, %cond3A_131 : i32
      scf.if %cond3A_132 {
        %sub3A_421 = arith.constant 2 : i32
        %sub3A_422 = arith.subi %add3A_127, %sub3A_421 : i32
        %jit3A_423 = arith.constant 8 : i32
        %div3A_424 = arith.divsi %sub3A_422, %jit3A_423 : i32
        %sign3A_425 = arith.constant 0 : i32
        %sign3A_426 = arith.cmpi sgt, %sub3A_422, %sign3A_425 : i32
        %sign3A_427 = arith.extui %sign3A_426 : i1 to i32
        %sign3A_428 = arith.constant 0 : i32
        %sign3A_429 = arith.cmpi slt, %sub3A_422, %sign3A_428 : i32
        %sign3A_430 = arith.extui %sign3A_429 : i1 to i32
        %sign3A_431 = arith.subi %sign3A_427, %sign3A_430 : i32
        %sign3A_432 = arith.constant 0 : i32
        %sign3A_433 = arith.cmpi sgt, %jit3A_423, %sign3A_432 : i32
        %sign3A_434 = arith.extui %sign3A_433 : i1 to i32
        %sign3A_435 = arith.constant 0 : i32
        %sign3A_436 = arith.cmpi slt, %jit3A_423, %sign3A_435 : i32
        %sign3A_437 = arith.extui %sign3A_436 : i1 to i32
        %sign3A_438 = arith.subi %sign3A_434, %sign3A_437 : i32
        %ne3A_439 = arith.cmpi ne, %sign3A_431, %sign3A_438 : i32
        %rem3A_440 = arith.remsi %sub3A_422, %jit3A_423 : i32
        %ne3A_441 = arith.constant 0 : i32
        %ne3A_442 = arith.cmpi ne, %rem3A_440, %ne3A_441 : i32
        %and3A_443 = arith.andi %ne3A_439, %ne3A_442 : i1
        %sub3A_444 = arith.constant 1 : i32
        %sub3A_445 = arith.subi %div3A_424, %sub3A_444 : i32
        %select_n3A_446 = arith.select %and3A_443, %sub3A_445, %div3A_424 : i32
        %jit3A_447 = arith.constant 8 : i32
        %eq3A_448 = arith.constant 0 : i32
        %eq3A_449 = arith.cmpi eq, %jit3A_447, %eq3A_448 : i32
        %jit3A_450 = arith.constant 1 : i32
        %select_n3A_451 = arith.select %eq3A_449, %jit3A_450, %jit3A_447 : i32
        %rem3A_452 = arith.remsi %sub3A_422, %select_n3A_451 : i32
        %ne3A_453 = arith.constant 0 : i32
        %ne3A_454 = arith.cmpi ne, %rem3A_452, %ne3A_453 : i32
        %lt3A_455 = arith.constant 0 : i32
        %lt3A_456 = arith.cmpi slt, %rem3A_452, %lt3A_455 : i32
        %lt3A_457 = arith.constant 0 : i32
        %lt3A_458 = arith.cmpi slt, %select_n3A_451, %lt3A_457 : i32
        %ne3A_459 = arith.xori %lt3A_456, %lt3A_458 : i1
        %and3A_460 = arith.andi %ne3A_459, %ne3A_454 : i1
        %add3A_461 = arith.addi %rem3A_452, %select_n3A_451 : i32
        %select_n3A_462 = arith.select %and3A_460, %add3A_461, %rem3A_452 : i32
        %mul3A_463 = arith.constant 16 : i32
        %mul3A_464 = arith.muli %select_n3A_462, %mul3A_463 : i32
        %add3A_465 = arith.addi %mul3A_2, %mul3A_464 : i32
        %dma_wait3A_466 = arith.constant 0 : i32
        %dma_wait3A_467 = tpu.memref_slice %arg5[%select_n3A_446, %add3A_465, %dma_wait3A_466] : memref<77x4096x768xf32, #tpu.memory_space<hbm>> -> memref<1x16x768xf32, #tpu.memory_space<hbm>>
        %dma_wait3A_468 = tpu.memref_squeeze %dma_wait3A_467 : memref<1x16x768xf32, #tpu.memory_space<hbm>> -> memref<16x768xf32, #tpu.memory_space<hbm>>
        %dma_wait3A_469 = arith.constant 0 : i32
        %dma_wait3A_470 = tpu.memref_slice %arg5[%select_n3A_446, %add3A_465, %dma_wait3A_469] : memref<77x4096x768xf32, #tpu.memory_space<hbm>> -> memref<1x16x768xf32, #tpu.memory_space<hbm>>
        %dma_wait3A_471 = tpu.memref_squeeze %dma_wait3A_470 : memref<1x16x768xf32, #tpu.memory_space<hbm>> -> memref<16x768xf32, #tpu.memory_space<hbm>>
        tpu.wait_dma2 semaphore(%arg19 : memref<!tpu.dma_semaphore, #tpu.memory_space<semaphore_mem>>) src(%arg11 : memref<16x768xf32, #tpu.memory_space<vmem>>) dst(%dma_wait3A_471 : memref<16x768xf32, #tpu.memory_space<hbm>>)
      } else {
      }
      %add3A_133 = arith.constant 2 : i32
      %add3A_134 = arith.addi %add3A_127, %add3A_133 : i32
      %lt3A_135 = arith.constant 616 : i32
      %lt3A_136 = arith.cmpi slt, %add3A_134, %lt3A_135 : i32
      %convert_element_type3A_137 = arith.extui %lt3A_136 : i1 to i32
      %cond3A_138 = arith.constant 0 : i32
      %cond3A_139 = arith.cmpi ne, %convert_element_type3A_137, %cond3A_138 : i32
      scf.if %cond3A_139 {
        %add3A_421 = arith.constant 2 : i32
        %add3A_422 = arith.addi %add3A_127, %add3A_421 : i32
        %jit3A_423 = arith.constant 8 : i32
        %div3A_424 = arith.divsi %add3A_422, %jit3A_423 : i32
        %sign3A_425 = arith.constant 0 : i32
        %sign3A_426 = arith.cmpi sgt, %add3A_422, %sign3A_425 : i32
        %sign3A_427 = arith.extui %sign3A_426 : i1 to i32
        %sign3A_428 = arith.constant 0 : i32
        %sign3A_429 = arith.cmpi slt, %add3A_422, %sign3A_428 : i32
        %sign3A_430 = arith.extui %sign3A_429 : i1 to i32
        %sign3A_431 = arith.subi %sign3A_427, %sign3A_430 : i32
        %sign3A_432 = arith.constant 0 : i32
        %sign3A_433 = arith.cmpi sgt, %jit3A_423, %sign3A_432 : i32
        %sign3A_434 = arith.extui %sign3A_433 : i1 to i32
        %sign3A_435 = arith.constant 0 : i32
        %sign3A_436 = arith.cmpi slt, %jit3A_423, %sign3A_435 : i32
        %sign3A_437 = arith.extui %sign3A_436 : i1 to i32
        %sign3A_438 = arith.subi %sign3A_434, %sign3A_437 : i32
        %ne3A_439 = arith.cmpi ne, %sign3A_431, %sign3A_438 : i32
        %rem3A_440 = arith.remsi %add3A_422, %jit3A_423 : i32
        %ne3A_441 = arith.constant 0 : i32
        %ne3A_442 = arith.cmpi ne, %rem3A_440, %ne3A_441 : i32
        %and3A_443 = arith.andi %ne3A_439, %ne3A_442 : i1
        %sub3A_444 = arith.constant 1 : i32
        %sub3A_445 = arith.subi %div3A_424, %sub3A_444 : i32
        %select_n3A_446 = arith.select %and3A_443, %sub3A_445, %div3A_424 : i32
        %jit3A_447 = arith.constant 8 : i32
        %eq3A_448 = arith.constant 0 : i32
        %eq3A_449 = arith.cmpi eq, %jit3A_447, %eq3A_448 : i32
        %jit3A_450 = arith.constant 1 : i32
        %select_n3A_451 = arith.select %eq3A_449, %jit3A_450, %jit3A_447 : i32
        %rem3A_452 = arith.remsi %add3A_422, %select_n3A_451 : i32
        %ne3A_453 = arith.constant 0 : i32
        %ne3A_454 = arith.cmpi ne, %rem3A_452, %ne3A_453 : i32
        %lt3A_455 = arith.constant 0 : i32
        %lt3A_456 = arith.cmpi slt, %rem3A_452, %lt3A_455 : i32
        %lt3A_457 = arith.constant 0 : i32
        %lt3A_458 = arith.cmpi slt, %select_n3A_451, %lt3A_457 : i32
        %ne3A_459 = arith.xori %lt3A_456, %lt3A_458 : i1
        %and3A_460 = arith.andi %ne3A_459, %ne3A_454 : i1
        %add3A_461 = arith.addi %rem3A_452, %select_n3A_451 : i32
        %select_n3A_462 = arith.select %and3A_460, %add3A_461, %rem3A_452 : i32
        %mul3A_463 = arith.constant 16 : i32
        %mul3A_464 = arith.muli %select_n3A_462, %mul3A_463 : i32
        %dma_start3A_465 = tpu.memref_slice %arg6[%select_n3A_446, %mul3A_464] : memref<77x128xi32, #tpu.memory_space<vmem>> -> memref<1x16xi32, #tpu.memory_space<vmem>>
        %dma_start3A_466 = tpu.memref_squeeze %dma_start3A_465 : memref<1x16xi32, #tpu.memory_space<vmem>> -> memref<16xi32, #tpu.memory_space<vmem>>
        %dma_start3A_467 = arith.constant 0 : i32
        %dma_start3A_468 = arith.constant 0 : i32
        %dma_start3A_469 = tpu.memref_slice %arg2[%dma_start3A_467, %dma_start3A_468] : memref<49408x768xf32, #tpu.memory_space<hbm>> -> memref<49408x768xf32, #tpu.memory_space<hbm>>
        tpu.enqueue_indirect_dma source(%dma_start3A_469 : memref<49408x768xf32, #tpu.memory_space<hbm>>) target(%arg11 : memref<16x768xf32, #tpu.memory_space<vmem>>) offsets(%dma_start3A_466 : memref<16xi32, #tpu.memory_space<vmem>>) semaphore(%arg15 : memref<!tpu.dma_semaphore, #tpu.memory_space<semaphore_mem>>)
      } else {
      }
      %dma_wait3A_140 = arith.constant 0 : i32
      %dma_wait3A_141 = arith.constant 0 : i32
      %dma_wait3A_142 = tpu.memref_slice %arg6[%dma_wait3A_140, %dma_wait3A_141] : memref<77x128xi32, #tpu.memory_space<vmem>> -> memref<1x16xi32, #tpu.memory_space<vmem>>
      %dma_wait3A_143 = tpu.memref_squeeze %dma_wait3A_142 : memref<1x16xi32, #tpu.memory_space<vmem>> -> memref<16xi32, #tpu.memory_space<vmem>>
      %dma_wait3A_144 = arith.constant 0 : i32
      %dma_wait3A_145 = arith.constant 0 : i32
      %dma_wait3A_146 = tpu.memref_slice %arg2[%dma_wait3A_144, %dma_wait3A_145] : memref<49408x768xf32, #tpu.memory_space<hbm>> -> memref<49408x768xf32, #tpu.memory_space<hbm>>
      tpu.wait_indirect_dma semaphore(%arg13 : memref<!tpu.dma_semaphore, #tpu.memory_space<semaphore_mem>>) src(%dma_wait3A_146 : memref<49408x768xf32, #tpu.memory_space<hbm>>) dst(%arg9 : memref<16x768xf32, #tpu.memory_space<vmem>>)
      %jit3A_147 = arith.constant 8 : i32
      %div3A_148 = arith.divsi %add3A_127, %jit3A_147 : i32
      %sign3A_149 = arith.constant 0 : i32
      %sign3A_150 = arith.cmpi sgt, %add3A_127, %sign3A_149 : i32
      %sign3A_151 = arith.extui %sign3A_150 : i1 to i32
      %sign3A_152 = arith.constant 0 : i32
      %sign3A_153 = arith.cmpi slt, %add3A_127, %sign3A_152 : i32
      %sign3A_154 = arith.extui %sign3A_153 : i1 to i32
      %sign3A_155 = arith.subi %sign3A_151, %sign3A_154 : i32
      %sign3A_156 = arith.constant 0 : i32
      %sign3A_157 = arith.cmpi sgt, %jit3A_147, %sign3A_156 : i32
      %sign3A_158 = arith.extui %sign3A_157 : i1 to i32
      %sign3A_159 = arith.constant 0 : i32
      %sign3A_160 = arith.cmpi slt, %jit3A_147, %sign3A_159 : i32
      %sign3A_161 = arith.extui %sign3A_160 : i1 to i32
      %sign3A_162 = arith.subi %sign3A_158, %sign3A_161 : i32
      %ne3A_163 = arith.cmpi ne, %sign3A_155, %sign3A_162 : i32
      %rem3A_164 = arith.remsi %add3A_127, %jit3A_147 : i32
      %ne3A_165 = arith.constant 0 : i32
      %ne3A_166 = arith.cmpi ne, %rem3A_164, %ne3A_165 : i32
      %and3A_167 = arith.andi %ne3A_163, %ne3A_166 : i1
      %sub3A_168 = arith.constant 1 : i32
      %sub3A_169 = arith.subi %div3A_148, %sub3A_168 : i32
      %select_n3A_170 = arith.select %and3A_167, %sub3A_169, %div3A_148 : i32
      %parallel_loop3A_171 = arith.constant 0 : i32
      %parallel_loop3A_172 = arith.constant 48 : i32
      %parallel_loop3A_173 = arith.constant 1 : i32
      scf.for %parallel_loop3A_421 = %parallel_loop3A_171 to %parallel_loop3A_172 step %parallel_loop3A_173  : i32 {
        %parallel_loop3A_422 = arith.constant 16 : i32
        %parallel_loop3A_423 = arith.muli %parallel_loop3A_421, %parallel_loop3A_422 : i32
        %parallel_loop3A_424 = arith.index_cast %select_n3A_170 : i32 to index
        %parallel_loop3A_425 = arith.index_cast %parallel_loop3A_423 : i32 to index
        %parallel_loop3A_426 = tpu.vector_load %arg7[%parallel_loop3A_424, %parallel_loop3A_425] {strides = array<i32>} : memref<77x768xf32, #tpu.memory_space<vmem>>, vector<1x16xf32>,
        %parallel_loop3A_427 = vector.shape_cast %parallel_loop3A_426 : vector<1x16xf32> to vector<16xf32>
        %parallel_loop3A_428 = arith.constant 16 : i32
        %parallel_loop3A_429 = arith.muli %parallel_loop3A_421, %parallel_loop3A_428 : i32
        %parallel_loop3A_430 = arith.constant 0 : i32
        %parallel_loop3A_431 = arith.index_cast %parallel_loop3A_430 : i32 to index
        %parallel_loop3A_432 = arith.index_cast %parallel_loop3A_429 : i32 to index
        %parallel_loop3A_433 = tpu.vector_load %arg9[%parallel_loop3A_431, %parallel_loop3A_432] {strides = array<i32>} : memref<16x768xf32, #tpu.memory_space<vmem>>, vector<1x16xf32>,
        %parallel_loop3A_434 = vector.shape_cast %parallel_loop3A_433 : vector<1x16xf32> to vector<16xf32>
        %parallel_loop3A_435 = vector.shape_cast %parallel_loop3A_427 : vector<16xf32> to vector<1x16xf32>
        tpu.vector_store %arg9[%parallel_loop3A_431, %parallel_loop3A_432], %parallel_loop3A_435 {add = true, strides = array<i32>} : memref<16x768xf32, #tpu.memory_space<vmem>>, vector<1x16xf32>,
        %parallel_loop3A_436 = arith.constant 16 : i32
        %parallel_loop3A_437 = arith.muli %parallel_loop3A_421, %parallel_loop3A_436 : i32
        %parallel_loop3A_438 = arith.constant 1 : i32
        %parallel_loop3A_439 = arith.index_cast %parallel_loop3A_438 : i32 to index
        %parallel_loop3A_440 = arith.index_cast %parallel_loop3A_437 : i32 to index
        %parallel_loop3A_441 = tpu.vector_load %arg9[%parallel_loop3A_439, %parallel_loop3A_440] {strides = array<i32>} : memref<16x768xf32, #tpu.memory_space<vmem>>, vector<1x16xf32>,
        %parallel_loop3A_442 = vector.shape_cast %parallel_loop3A_441 : vector<1x16xf32> to vector<16xf32>
        %parallel_loop3A_443 = vector.shape_cast %parallel_loop3A_427 : vector<16xf32> to vector<1x16xf32>
        tpu.vector_store %arg9[%parallel_loop3A_439, %parallel_loop3A_440], %parallel_loop3A_443 {add = true, strides = array<i32>} : memref<16x768xf32, #tpu.memory_space<vmem>>, vector<1x16xf32>,
        %parallel_loop3A_444 = arith.constant 16 : i32
        %parallel_loop3A_445 = arith.muli %parallel_loop3A_421, %parallel_loop3A_444 : i32
        %parallel_loop3A_446 = arith.constant 2 : i32
        %parallel_loop3A_447 = arith.index_cast %parallel_loop3A_446 : i32 to index
        %parallel_loop3A_448 = arith.index_cast %parallel_loop3A_445 : i32 to index
        %parallel_loop3A_449 = tpu.vector_load %arg9[%parallel_loop3A_447, %parallel_loop3A_448] {strides = array<i32>} : memref<16x768xf32, #tpu.memory_space<vmem>>, vector<1x16xf32>,
        %parallel_loop3A_450 = vector.shape_cast %parallel_loop3A_449 : vector<1x16xf32> to vector<16xf32>
        %parallel_loop3A_451 = vector.shape_cast %parallel_loop3A_427 : vector<16xf32> to vector<1x16xf32>
        tpu.vector_store %arg9[%parallel_loop3A_447, %parallel_loop3A_448], %parallel_loop3A_451 {add = true, strides = array<i32>} : memref<16x768xf32, #tpu.memory_space<vmem>>, vector<1x16xf32>,
        %parallel_loop3A_452 = arith.constant 16 : i32
        %parallel_loop3A_453 = arith.muli %parallel_loop3A_421, %parallel_loop3A_452 : i32
        %parallel_loop3A_454 = arith.constant 3 : i32
        %parallel_loop3A_455 = arith.index_cast %parallel_loop3A_454 : i32 to index
        %parallel_loop3A_456 = arith.index_cast %parallel_loop3A_453 : i32 to index
        %parallel_loop3A_457 = tpu.vector_load %arg9[%parallel_loop3A_455, %parallel_loop3A_456] {strides = array<i32>} : memref<16x768xf32, #tpu.memory_space<vmem>>, vector<1x16xf32>,
        %parallel_loop3A_458 = vector.shape_cast %parallel_loop3A_457 : vector<1x16xf32> to vector<16xf32>
        %parallel_loop3A_459 = vector.shape_cast %parallel_loop3A_427 : vector<16xf32> to vector<1x16xf32>
        tpu.vector_store %arg9[%parallel_loop3A_455, %parallel_loop3A_456], %parallel_loop3A_459 {add = true, strides = array<i32>} : memref<16x768xf32, #tpu.memory_space<vmem>>, vector<1x16xf32>,
        %parallel_loop3A_460 = arith.constant 16 : i32
        %parallel_loop3A_461 = arith.muli %parallel_loop3A_421, %parallel_loop3A_460 : i32
        %parallel_loop3A_462 = arith.constant 4 : i32
        %parallel_loop3A_463 = arith.index_cast %parallel_loop3A_462 : i32 to index
        %parallel_loop3A_464 = arith.index_cast %parallel_loop3A_461 : i32 to index
        %parallel_loop3A_465 = tpu.vector_load %arg9[%parallel_loop3A_463, %parallel_loop3A_464] {strides = array<i32>} : memref<16x768xf32, #tpu.memory_space<vmem>>, vector<1x16xf32>,
        %parallel_loop3A_466 = vector.shape_cast %parallel_loop3A_465 : vector<1x16xf32> to vector<16xf32>
        %parallel_loop3A_467 = vector.shape_cast %parallel_loop3A_427 : vector<16xf32> to vector<1x16xf32>
        tpu.vector_store %arg9[%parallel_loop3A_463, %parallel_loop3A_464], %parallel_loop3A_467 {add = true, strides = array<i32>} : memref<16x768xf32, #tpu.memory_space<vmem>>, vector<1x16xf32>,
        %parallel_loop3A_468 = arith.constant 16 : i32
        %parallel_loop3A_469 = arith.muli %parallel_loop3A_421, %parallel_loop3A_468 : i32
        %parallel_loop3A_470 = arith.constant 5 : i32
        %parallel_loop3A_471 = arith.index_cast %parallel_loop3A_470 : i32 to index
        %parallel_loop3A_472 = arith.index_cast %parallel_loop3A_469 : i32 to index
        %parallel_loop3A_473 = tpu.vector_load %arg9[%parallel_loop3A_471, %parallel_loop3A_472] {strides = array<i32>} : memref<16x768xf32, #tpu.memory_space<vmem>>, vector<1x16xf32>,
        %parallel_loop3A_474 = vector.shape_cast %parallel_loop3A_473 : vector<1x16xf32> to vector<16xf32>
        %parallel_loop3A_475 = vector.shape_cast %parallel_loop3A_427 : vector<16xf32> to vector<1x16xf32>
        tpu.vector_store %arg9[%parallel_loop3A_471, %parallel_loop3A_472], %parallel_loop3A_475 {add = true, strides = array<i32>} : memref<16x768xf32, #tpu.memory_space<vmem>>, vector<1x16xf32>,
        %parallel_loop3A_476 = arith.constant 16 : i32
        %parallel_loop3A_477 = arith.muli %parallel_loop3A_421, %parallel_loop3A_476 : i32
        %parallel_loop3A_478 = arith.constant 6 : i32
        %parallel_loop3A_479 = arith.index_cast %parallel_loop3A_478 : i32 to index
        %parallel_loop3A_480 = arith.index_cast %parallel_loop3A_477 : i32 to index
        %parallel_loop3A_481 = tpu.vector_load %arg9[%parallel_loop3A_479, %parallel_loop3A_480] {strides = array<i32>} : memref<16x768xf32, #tpu.memory_space<vmem>>, vector<1x16xf32>,
        %parallel_loop3A_482 = vector.shape_cast %parallel_loop3A_481 : vector<1x16xf32> to vector<16xf32>
        %parallel_loop3A_483 = vector.shape_cast %parallel_loop3A_427 : vector<16xf32> to vector<1x16xf32>
        tpu.vector_store %arg9[%parallel_loop3A_479, %parallel_loop3A_480], %parallel_loop3A_483 {add = true, strides = array<i32>} : memref<16x768xf32, #tpu.memory_space<vmem>>, vector<1x16xf32>,
        %parallel_loop3A_484 = arith.constant 16 : i32
        %parallel_loop3A_485 = arith.muli %parallel_loop3A_421, %parallel_loop3A_484 : i32
        %parallel_loop3A_486 = arith.constant 7 : i32
        %parallel_loop3A_487 = arith.index_cast %parallel_loop3A_486 : i32 to index
        %parallel_loop3A_488 = arith.index_cast %parallel_loop3A_485 : i32 to index
        %parallel_loop3A_489 = tpu.vector_load %arg9[%parallel_loop3A_487, %parallel_loop3A_488] {strides = array<i32>} : memref<16x768xf32, #tpu.memory_space<vmem>>, vector<1x16xf32>,
        %parallel_loop3A_490 = vector.shape_cast %parallel_loop3A_489 : vector<1x16xf32> to vector<16xf32>
        %parallel_loop3A_491 = vector.shape_cast %parallel_loop3A_427 : vector<16xf32> to vector<1x16xf32>
        tpu.vector_store %arg9[%parallel_loop3A_487, %parallel_loop3A_488], %parallel_loop3A_491 {add = true, strides = array<i32>} : memref<16x768xf32, #tpu.memory_space<vmem>>, vector<1x16xf32>,
        %parallel_loop3A_492 = arith.constant 16 : i32
        %parallel_loop3A_493 = arith.muli %parallel_loop3A_421, %parallel_loop3A_492 : i32
        %parallel_loop3A_494 = arith.constant 8 : i32
        %parallel_loop3A_495 = arith.index_cast %parallel_loop3A_494 : i32 to index
        %parallel_loop3A_496 = arith.index_cast %parallel_loop3A_493 : i32 to index
        %parallel_loop3A_497 = tpu.vector_load %arg9[%parallel_loop3A_495, %parallel_loop3A_496] {strides = array<i32>} : memref<16x768xf32, #tpu.memory_space<vmem>>, vector<1x16xf32>,
        %parallel_loop3A_498 = vector.shape_cast %parallel_loop3A_497 : vector<1x16xf32> to vector<16xf32>
        %parallel_loop3A_499 = vector.shape_cast %parallel_loop3A_427 : vector<16xf32> to vector<1x16xf32>
        tpu.vector_store %arg9[%parallel_loop3A_495, %parallel_loop3A_496], %parallel_loop3A_499 {add = true, strides = array<i32>} : memref<16x768xf32, #tpu.memory_space<vmem>>, vector<1x16xf32>,
        %parallel_loop3A_500 = arith.constant 16 : i32
        %parallel_loop3A_501 = arith.muli %parallel_loop3A_421, %parallel_loop3A_500 : i32
        %parallel_loop3A_502 = arith.constant 9 : i32
        %parallel_loop3A_503 = arith.index_cast %parallel_loop3A_502 : i32 to index
        %parallel_loop3A_504 = arith.index_cast %parallel_loop3A_501 : i32 to index
        %parallel_loop3A_505 = tpu.vector_load %arg9[%parallel_loop3A_503, %parallel_loop3A_504] {strides = array<i32>} : memref<16x768xf32, #tpu.memory_space<vmem>>, vector<1x16xf32>,
        %parallel_loop3A_506 = vector.shape_cast %parallel_loop3A_505 : vector<1x16xf32> to vector<16xf32>
        %parallel_loop3A_507 = vector.shape_cast %parallel_loop3A_427 : vector<16xf32> to vector<1x16xf32>
        tpu.vector_store %arg9[%parallel_loop3A_503, %parallel_loop3A_504], %parallel_loop3A_507 {add = true, strides = array<i32>} : memref<16x768xf32, #tpu.memory_space<vmem>>, vector<1x16xf32>,
        %parallel_loop3A_508 = arith.constant 16 : i32
        %parallel_loop3A_509 = arith.muli %parallel_loop3A_421, %parallel_loop3A_508 : i32
        %parallel_loop3A_510 = arith.constant 10 : i32
        %parallel_loop3A_511 = arith.index_cast %parallel_loop3A_510 : i32 to index
        %parallel_loop3A_512 = arith.index_cast %parallel_loop3A_509 : i32 to index
        %parallel_loop3A_513 = tpu.vector_load %arg9[%parallel_loop3A_511, %parallel_loop3A_512] {strides = array<i32>} : memref<16x768xf32, #tpu.memory_space<vmem>>, vector<1x16xf32>,
        %parallel_loop3A_514 = vector.shape_cast %parallel_loop3A_513 : vector<1x16xf32> to vector<16xf32>
        %parallel_loop3A_515 = vector.shape_cast %parallel_loop3A_427 : vector<16xf32> to vector<1x16xf32>
        tpu.vector_store %arg9[%parallel_loop3A_511, %parallel_loop3A_512], %parallel_loop3A_515 {add = true, strides = array<i32>} : memref<16x768xf32, #tpu.memory_space<vmem>>, vector<1x16xf32>,
        %parallel_loop3A_516 = arith.constant 16 : i32
        %parallel_loop3A_517 = arith.muli %parallel_loop3A_421, %parallel_loop3A_516 : i32
        %parallel_loop3A_518 = arith.constant 11 : i32
        %parallel_loop3A_519 = arith.index_cast %parallel_loop3A_518 : i32 to index
        %parallel_loop3A_520 = arith.index_cast %parallel_loop3A_517 : i32 to index
        %parallel_loop3A_521 = tpu.vector_load %arg9[%parallel_loop3A_519, %parallel_loop3A_520] {strides = array<i32>} : memref<16x768xf32, #tpu.memory_space<vmem>>, vector<1x16xf32>,
        %parallel_loop3A_522 = vector.shape_cast %parallel_loop3A_521 : vector<1x16xf32> to vector<16xf32>
        %parallel_loop3A_523 = vector.shape_cast %parallel_loop3A_427 : vector<16xf32> to vector<1x16xf32>
        tpu.vector_store %arg9[%parallel_loop3A_519, %parallel_loop3A_520], %parallel_loop3A_523 {add = true, strides = array<i32>} : memref<16x768xf32, #tpu.memory_space<vmem>>, vector<1x16xf32>,
        %parallel_loop3A_524 = arith.constant 16 : i32
        %parallel_loop3A_525 = arith.muli %parallel_loop3A_421, %parallel_loop3A_524 : i32
        %parallel_loop3A_526 = arith.constant 12 : i32
        %parallel_loop3A_527 = arith.index_cast %parallel_loop3A_526 : i32 to index
        %parallel_loop3A_528 = arith.index_cast %parallel_loop3A_525 : i32 to index
        %parallel_loop3A_529 = tpu.vector_load %arg9[%parallel_loop3A_527, %parallel_loop3A_528] {strides = array<i32>} : memref<16x768xf32, #tpu.memory_space<vmem>>, vector<1x16xf32>,
        %parallel_loop3A_530 = vector.shape_cast %parallel_loop3A_529 : vector<1x16xf32> to vector<16xf32>
        %parallel_loop3A_531 = vector.shape_cast %parallel_loop3A_427 : vector<16xf32> to vector<1x16xf32>
        tpu.vector_store %arg9[%parallel_loop3A_527, %parallel_loop3A_528], %parallel_loop3A_531 {add = true, strides = array<i32>} : memref<16x768xf32, #tpu.memory_space<vmem>>, vector<1x16xf32>,
        %parallel_loop3A_532 = arith.constant 16 : i32
        %parallel_loop3A_533 = arith.muli %parallel_loop3A_421, %parallel_loop3A_532 : i32
        %parallel_loop3A_534 = arith.constant 13 : i32
        %parallel_loop3A_535 = arith.index_cast %parallel_loop3A_534 : i32 to index
        %parallel_loop3A_536 = arith.index_cast %parallel_loop3A_533 : i32 to index
        %parallel_loop3A_537 = tpu.vector_load %arg9[%parallel_loop3A_535, %parallel_loop3A_536] {strides = array<i32>} : memref<16x768xf32, #tpu.memory_space<vmem>>, vector<1x16xf32>,
        %parallel_loop3A_538 = vector.shape_cast %parallel_loop3A_537 : vector<1x16xf32> to vector<16xf32>
        %parallel_loop3A_539 = vector.shape_cast %parallel_loop3A_427 : vector<16xf32> to vector<1x16xf32>
        tpu.vector_store %arg9[%parallel_loop3A_535, %parallel_loop3A_536], %parallel_loop3A_539 {add = true, strides = array<i32>} : memref<16x768xf32, #tpu.memory_space<vmem>>, vector<1x16xf32>,
        %parallel_loop3A_540 = arith.constant 16 : i32
        %parallel_loop3A_541 = arith.muli %parallel_loop3A_421, %parallel_loop3A_540 : i32
        %parallel_loop3A_542 = arith.constant 14 : i32
        %parallel_loop3A_543 = arith.index_cast %parallel_loop3A_542 : i32 to index
        %parallel_loop3A_544 = arith.index_cast %parallel_loop3A_541 : i32 to index
        %parallel_loop3A_545 = tpu.vector_load %arg9[%parallel_loop3A_543, %parallel_loop3A_544] {strides = array<i32>} : memref<16x768xf32, #tpu.memory_space<vmem>>, vector<1x16xf32>,
        %parallel_loop3A_546 = vector.shape_cast %parallel_loop3A_545 : vector<1x16xf32> to vector<16xf32>
        %parallel_loop3A_547 = vector.shape_cast %parallel_loop3A_427 : vector<16xf32> to vector<1x16xf32>
        tpu.vector_store %arg9[%parallel_loop3A_543, %parallel_loop3A_544], %parallel_loop3A_547 {add = true, strides = array<i32>} : memref<16x768xf32, #tpu.memory_space<vmem>>, vector<1x16xf32>,
        %parallel_loop3A_548 = arith.constant 16 : i32
        %parallel_loop3A_549 = arith.muli %parallel_loop3A_421, %parallel_loop3A_548 : i32
        %parallel_loop3A_550 = arith.constant 15 : i32
        %parallel_loop3A_551 = arith.index_cast %parallel_loop3A_550 : i32 to index
        %parallel_loop3A_552 = arith.index_cast %parallel_loop3A_549 : i32 to index
        %parallel_loop3A_553 = tpu.vector_load %arg9[%parallel_loop3A_551, %parallel_loop3A_552] {strides = array<i32>} : memref<16x768xf32, #tpu.memory_space<vmem>>, vector<1x16xf32>,
        %parallel_loop3A_554 = vector.shape_cast %parallel_loop3A_553 : vector<1x16xf32> to vector<16xf32>
        %parallel_loop3A_555 = vector.shape_cast %parallel_loop3A_427 : vector<16xf32> to vector<1x16xf32>
        tpu.vector_store %arg9[%parallel_loop3A_551, %parallel_loop3A_552], %parallel_loop3A_555 {add = true, strides = array<i32>} : memref<16x768xf32, #tpu.memory_space<vmem>>, vector<1x16xf32>,
      } {sc.loop_unroll_factor = 2 : i64, sc.parallel_access}
      %jit3A_174 = arith.constant 8 : i32
      %div3A_175 = arith.divsi %add3A_127, %jit3A_174 : i32
      %sign3A_176 = arith.constant 0 : i32
      %sign3A_177 = arith.cmpi sgt, %add3A_127, %sign3A_176 : i32
      %sign3A_178 = arith.extui %sign3A_177 : i1 to i32
      %sign3A_179 = arith.constant 0 : i32
      %sign3A_180 = arith.cmpi slt, %add3A_127, %sign3A_179 : i32
      %sign3A_181 = arith.extui %sign3A_180 : i1 to i32
      %sign3A_182 = arith.subi %sign3A_178, %sign3A_181 : i32
      %sign3A_183 = arith.constant 0 : i32
      %sign3A_184 = arith.cmpi sgt, %jit3A_174, %sign3A_183 : i32
      %sign3A_185 = arith.extui %sign3A_184 : i1 to i32
      %sign3A_186 = arith.constant 0 : i32
      %sign3A_187 = arith.cmpi slt, %jit3A_174, %sign3A_186 : i32
      %sign3A_188 = arith.extui %sign3A_187 : i1 to i32
      %sign3A_189 = arith.subi %sign3A_185, %sign3A_188 : i32
      %ne3A_190 = arith.cmpi ne, %sign3A_182, %sign3A_189 : i32
      %rem3A_191 = arith.remsi %add3A_127, %jit3A_174 : i32
      %ne3A_192 = arith.constant 0 : i32
      %ne3A_193 = arith.cmpi ne, %rem3A_191, %ne3A_192 : i32
      %and3A_194 = arith.andi %ne3A_190, %ne3A_193 : i1
      %sub3A_195 = arith.constant 1 : i32
      %sub3A_196 = arith.subi %div3A_175, %sub3A_195 : i32
      %select_n3A_197 = arith.select %and3A_194, %sub3A_196, %div3A_175 : i32
      %jit3A_198 = arith.constant 8 : i32
      %eq3A_199 = arith.constant 0 : i32
      %eq3A_200 = arith.cmpi eq, %jit3A_198, %eq3A_199 : i32
      %jit3A_201 = arith.constant 1 : i32
      %select_n3A_202 = arith.select %eq3A_200, %jit3A_201, %jit3A_198 : i32
      %rem3A_203 = arith.remsi %add3A_127, %select_n3A_202 : i32
      %ne3A_204 = arith.constant 0 : i32
      %ne3A_205 = arith.cmpi ne, %rem3A_203, %ne3A_204 : i32
      %lt3A_206 = arith.constant 0 : i32
      %lt3A_207 = arith.cmpi slt, %rem3A_203, %lt3A_206 : i32
      %lt3A_208 = arith.constant 0 : i32
      %lt3A_209 = arith.cmpi slt, %select_n3A_202, %lt3A_208 : i32
      %ne3A_210 = arith.xori %lt3A_207, %lt3A_209 : i1
      %and3A_211 = arith.andi %ne3A_210, %ne3A_205 : i1
      %add3A_212 = arith.addi %rem3A_203, %select_n3A_202 : i32
      %select_n3A_213 = arith.select %and3A_211, %add3A_212, %rem3A_203 : i32
      %mul3A_214 = arith.constant 16 : i32
      %mul3A_215 = arith.muli %select_n3A_213, %mul3A_214 : i32
      %add3A_216 = arith.addi %mul3A_2, %mul3A_215 : i32
      %dma_start3A_217 = arith.constant 0 : i32
      %dma_start3A_218 = tpu.memref_slice %arg5[%select_n3A_197, %add3A_216, %dma_start3A_217] : memref<77x4096x768xf32, #tpu.memory_space<hbm>> -> memref<1x16x768xf32, #tpu.memory_space<hbm>>
      %dma_start3A_219 = tpu.memref_squeeze %dma_start3A_218 : memref<1x16x768xf32, #tpu.memory_space<hbm>> -> memref<16x768xf32, #tpu.memory_space<hbm>>
      %dma_start3A_220 = arith.constant 0 : i32
      %dma_start3A_221 = tpu.memref_slice %arg5[%select_n3A_197, %add3A_216, %dma_start3A_220] : memref<77x4096x768xf32, #tpu.memory_space<hbm>> -> memref<1x16x768xf32, #tpu.memory_space<hbm>>
      %dma_start3A_222 = tpu.memref_squeeze %dma_start3A_221 : memref<1x16x768xf32, #tpu.memory_space<hbm>> -> memref<16x768xf32, #tpu.memory_space<hbm>>
      tpu.enqueue_dma source(%arg9 : memref<16x768xf32, #tpu.memory_space<vmem>>) target(%dma_start3A_222 : memref<16x768xf32, #tpu.memory_space<hbm>>) target_semaphore(%arg17 : memref<!tpu.dma_semaphore, #tpu.memory_space<semaphore_mem>>)
      %mul3A_223 = arith.constant 4 : i32
      %mul3A_224 = arith.muli %scan3A_38, %mul3A_223 : i32
      %add3A_225 = arith.constant 2 : i32
      %add3A_226 = arith.addi %mul3A_224, %add3A_225 : i32
      %ge3A_227 = arith.constant 2 : i32
      %ge3A_228 = arith.cmpi sge, %add3A_226, %ge3A_227 : i32
      %convert_element_type3A_229 = arith.extui %ge3A_228 : i1 to i32
      %cond3A_230 = arith.constant 0 : i32
      %cond3A_231 = arith.cmpi ne, %convert_element_type3A_229, %cond3A_230 : i32
      scf.if %cond3A_231 {
        %sub3A_421 = arith.constant 2 : i32
        %sub3A_422 = arith.subi %add3A_226, %sub3A_421 : i32
        %jit3A_423 = arith.constant 8 : i32
        %div3A_424 = arith.divsi %sub3A_422, %jit3A_423 : i32
        %sign3A_425 = arith.constant 0 : i32
        %sign3A_426 = arith.cmpi sgt, %sub3A_422, %sign3A_425 : i32
        %sign3A_427 = arith.extui %sign3A_426 : i1 to i32
        %sign3A_428 = arith.constant 0 : i32
        %sign3A_429 = arith.cmpi slt, %sub3A_422, %sign3A_428 : i32
        %sign3A_430 = arith.extui %sign3A_429 : i1 to i32
        %sign3A_431 = arith.subi %sign3A_427, %sign3A_430 : i32
        %sign3A_432 = arith.constant 0 : i32
        %sign3A_433 = arith.cmpi sgt, %jit3A_423, %sign3A_432 : i32
        %sign3A_434 = arith.extui %sign3A_433 : i1 to i32
        %sign3A_435 = arith.constant 0 : i32
        %sign3A_436 = arith.cmpi slt, %jit3A_423, %sign3A_435 : i32
        %sign3A_437 = arith.extui %sign3A_436 : i1 to i32
        %sign3A_438 = arith.subi %sign3A_434, %sign3A_437 : i32
        %ne3A_439 = arith.cmpi ne, %sign3A_431, %sign3A_438 : i32
        %rem3A_440 = arith.remsi %sub3A_422, %jit3A_423 : i32
        %ne3A_441 = arith.constant 0 : i32
        %ne3A_442 = arith.cmpi ne, %rem3A_440, %ne3A_441 : i32
        %and3A_443 = arith.andi %ne3A_439, %ne3A_442 : i1
        %sub3A_444 = arith.constant 1 : i32
        %sub3A_445 = arith.subi %div3A_424, %sub3A_444 : i32
        %select_n3A_446 = arith.select %and3A_443, %sub3A_445, %div3A_424 : i32
        %jit3A_447 = arith.constant 8 : i32
        %eq3A_448 = arith.constant 0 : i32
        %eq3A_449 = arith.cmpi eq, %jit3A_447, %eq3A_448 : i32
        %jit3A_450 = arith.constant 1 : i32
        %select_n3A_451 = arith.select %eq3A_449, %jit3A_450, %jit3A_447 : i32
        %rem3A_452 = arith.remsi %sub3A_422, %select_n3A_451 : i32
        %ne3A_453 = arith.constant 0 : i32
        %ne3A_454 = arith.cmpi ne, %rem3A_452, %ne3A_453 : i32
        %lt3A_455 = arith.constant 0 : i32
        %lt3A_456 = arith.cmpi slt, %rem3A_452, %lt3A_455 : i32
        %lt3A_457 = arith.constant 0 : i32
        %lt3A_458 = arith.cmpi slt, %select_n3A_451, %lt3A_457 : i32
        %ne3A_459 = arith.xori %lt3A_456, %lt3A_458 : i1
        %and3A_460 = arith.andi %ne3A_459, %ne3A_454 : i1
        %add3A_461 = arith.addi %rem3A_452, %select_n3A_451 : i32
        %select_n3A_462 = arith.select %and3A_460, %add3A_461, %rem3A_452 : i32
        %mul3A_463 = arith.constant 16 : i32
        %mul3A_464 = arith.muli %select_n3A_462, %mul3A_463 : i32
        %add3A_465 = arith.addi %mul3A_2, %mul3A_464 : i32
        %dma_wait3A_466 = arith.constant 0 : i32
        %dma_wait3A_467 = tpu.memref_slice %arg5[%select_n3A_446, %add3A_465, %dma_wait3A_466] : memref<77x4096x768xf32, #tpu.memory_space<hbm>> -> memref<1x16x768xf32, #tpu.memory_space<hbm>>
        %dma_wait3A_468 = tpu.memref_squeeze %dma_wait3A_467 : memref<1x16x768xf32, #tpu.memory_space<hbm>> -> memref<16x768xf32, #tpu.memory_space<hbm>>
        %dma_wait3A_469 = arith.constant 0 : i32
        %dma_wait3A_470 = tpu.memref_slice %arg5[%select_n3A_446, %add3A_465, %dma_wait3A_469] : memref<77x4096x768xf32, #tpu.memory_space<hbm>> -> memref<1x16x768xf32, #tpu.memory_space<hbm>>
        %dma_wait3A_471 = tpu.memref_squeeze %dma_wait3A_470 : memref<1x16x768xf32, #tpu.memory_space<hbm>> -> memref<16x768xf32, #tpu.memory_space<hbm>>
        tpu.wait_dma2 semaphore(%arg16 : memref<!tpu.dma_semaphore, #tpu.memory_space<semaphore_mem>>) src(%arg8 : memref<16x768xf32, #tpu.memory_space<vmem>>) dst(%dma_wait3A_471 : memref<16x768xf32, #tpu.memory_space<hbm>>)
      } else {
      }
      %add3A_232 = arith.constant 2 : i32
      %add3A_233 = arith.addi %add3A_226, %add3A_232 : i32
      %lt3A_234 = arith.constant 616 : i32
      %lt3A_235 = arith.cmpi slt, %add3A_233, %lt3A_234 : i32
      %convert_element_type3A_236 = arith.extui %lt3A_235 : i1 to i32
      %cond3A_237 = arith.constant 0 : i32
      %cond3A_238 = arith.cmpi ne, %convert_element_type3A_236, %cond3A_237 : i32
      scf.if %cond3A_238 {
        %add3A_421 = arith.constant 2 : i32
        %add3A_422 = arith.addi %add3A_226, %add3A_421 : i32
        %jit3A_423 = arith.constant 8 : i32
        %div3A_424 = arith.divsi %add3A_422, %jit3A_423 : i32
        %sign3A_425 = arith.constant 0 : i32
        %sign3A_426 = arith.cmpi sgt, %add3A_422, %sign3A_425 : i32
        %sign3A_427 = arith.extui %sign3A_426 : i1 to i32
        %sign3A_428 = arith.constant 0 : i32
        %sign3A_429 = arith.cmpi slt, %add3A_422, %sign3A_428 : i32
        %sign3A_430 = arith.extui %sign3A_429 : i1 to i32
        %sign3A_431 = arith.subi %sign3A_427, %sign3A_430 : i32
        %sign3A_432 = arith.constant 0 : i32
        %sign3A_433 = arith.cmpi sgt, %jit3A_423, %sign3A_432 : i32
        %sign3A_434 = arith.extui %sign3A_433 : i1 to i32
        %sign3A_435 = arith.constant 0 : i32
        %sign3A_436 = arith.cmpi slt, %jit3A_423, %sign3A_435 : i32
        %sign3A_437 = arith.extui %sign3A_436 : i1 to i32
        %sign3A_438 = arith.subi %sign3A_434, %sign3A_437 : i32
        %ne3A_439 = arith.cmpi ne, %sign3A_431, %sign3A_438 : i32
        %rem3A_440 = arith.remsi %add3A_422, %jit3A_423 : i32
        %ne3A_441 = arith.constant 0 : i32
        %ne3A_442 = arith.cmpi ne, %rem3A_440, %ne3A_441 : i32
        %and3A_443 = arith.andi %ne3A_439, %ne3A_442 : i1
        %sub3A_444 = arith.constant 1 : i32
        %sub3A_445 = arith.subi %div3A_424, %sub3A_444 : i32
        %select_n3A_446 = arith.select %and3A_443, %sub3A_445, %div3A_424 : i32
        %jit3A_447 = arith.constant 8 : i32
        %eq3A_448 = arith.constant 0 : i32
        %eq3A_449 = arith.cmpi eq, %jit3A_447, %eq3A_448 : i32
        %jit3A_450 = arith.constant 1 : i32
        %select_n3A_451 = arith.select %eq3A_449, %jit3A_450, %jit3A_447 : i32
        %rem3A_452 = arith.remsi %add3A_422, %select_n3A_451 : i32
        %ne3A_453 = arith.constant 0 : i32
        %ne3A_454 = arith.cmpi ne, %rem3A_452, %ne3A_453 : i32
        %lt3A_455 = arith.constant 0 : i32
        %lt3A_456 = arith.cmpi slt, %rem3A_452, %lt3A_455 : i32
        %lt3A_457 = arith.constant 0 : i32
        %lt3A_458 = arith.cmpi slt, %select_n3A_451, %lt3A_457 : i32
        %ne3A_459 = arith.xori %lt3A_456, %lt3A_458 : i1
        %and3A_460 = arith.andi %ne3A_459, %ne3A_454 : i1
        %add3A_461 = arith.addi %rem3A_452, %select_n3A_451 : i32
        %select_n3A_462 = arith.select %and3A_460, %add3A_461, %rem3A_452 : i32
        %mul3A_463 = arith.constant 16 : i32
        %mul3A_464 = arith.muli %select_n3A_462, %mul3A_463 : i32
        %dma_start3A_465 = tpu.memref_slice %arg6[%select_n3A_446, %mul3A_464] : memref<77x128xi32, #tpu.memory_space<vmem>> -> memref<1x16xi32, #tpu.memory_space<vmem>>
        %dma_start3A_466 = tpu.memref_squeeze %dma_start3A_465 : memref<1x16xi32, #tpu.memory_space<vmem>> -> memref<16xi32, #tpu.memory_space<vmem>>
        %dma_start3A_467 = arith.constant 0 : i32
        %dma_start3A_468 = arith.constant 0 : i32
        %dma_start3A_469 = tpu.memref_slice %arg2[%dma_start3A_467, %dma_start3A_468] : memref<49408x768xf32, #tpu.memory_space<hbm>> -> memref<49408x768xf32, #tpu.memory_space<hbm>>
        tpu.enqueue_indirect_dma source(%dma_start3A_469 : memref<49408x768xf32, #tpu.memory_space<hbm>>) target(%arg8 : memref<16x768xf32, #tpu.memory_space<vmem>>) offsets(%dma_start3A_466 : memref<16xi32, #tpu.memory_space<vmem>>) semaphore(%arg12 : memref<!tpu.dma_semaphore, #tpu.memory_space<semaphore_mem>>)
      } else {
      }
      %dma_wait3A_239 = arith.constant 0 : i32
      %dma_wait3A_240 = arith.constant 0 : i32
      %dma_wait3A_241 = tpu.memref_slice %arg6[%dma_wait3A_239, %dma_wait3A_240] : memref<77x128xi32, #tpu.memory_space<vmem>> -> memref<1x16xi32, #tpu.memory_space<vmem>>
      %dma_wait3A_242 = tpu.memref_squeeze %dma_wait3A_241 : memref<1x16xi32, #tpu.memory_space<vmem>> -> memref<16xi32, #tpu.memory_space<vmem>>
      %dma_wait3A_243 = arith.constant 0 : i32
      %dma_wait3A_244 = arith.constant 0 : i32
      %dma_wait3A_245 = tpu.memref_slice %arg2[%dma_wait3A_243, %dma_wait3A_244] : memref<49408x768xf32, #tpu.memory_space<hbm>> -> memref<49408x768xf32, #tpu.memory_space<hbm>>
      tpu.wait_indirect_dma semaphore(%arg14 : memref<!tpu.dma_semaphore, #tpu.memory_space<semaphore_mem>>) src(%dma_wait3A_245 : memref<49408x768xf32, #tpu.memory_space<hbm>>) dst(%arg10 : memref<16x768xf32, #tpu.memory_space<vmem>>)
      %jit3A_246 = arith.constant 8 : i32
      %div3A_247 = arith.divsi %add3A_226, %jit3A_246 : i32
      %sign3A_248 = arith.constant 0 : i32
      %sign3A_249 = arith.cmpi sgt, %add3A_226, %sign3A_248 : i32
      %sign3A_250 = arith.extui %sign3A_249 : i1 to i32
      %sign3A_251 = arith.constant 0 : i32
      %sign3A_252 = arith.cmpi slt, %add3A_226, %sign3A_251 : i32
      %sign3A_253 = arith.extui %sign3A_252 : i1 to i32
      %sign3A_254 = arith.subi %sign3A_250, %sign3A_253 : i32
      %sign3A_255 = arith.constant 0 : i32
      %sign3A_256 = arith.cmpi sgt, %jit3A_246, %sign3A_255 : i32
      %sign3A_257 = arith.extui %sign3A_256 : i1 to i32
      %sign3A_258 = arith.constant 0 : i32
      %sign3A_259 = arith.cmpi slt, %jit3A_246, %sign3A_258 : i32
      %sign3A_260 = arith.extui %sign3A_259 : i1 to i32
      %sign3A_261 = arith.subi %sign3A_257, %sign3A_260 : i32
      %ne3A_262 = arith.cmpi ne, %sign3A_254, %sign3A_261 : i32
      %rem3A_263 = arith.remsi %add3A_226, %jit3A_246 : i32
      %ne3A_264 = arith.constant 0 : i32
      %ne3A_265 = arith.cmpi ne, %rem3A_263, %ne3A_264 : i32
      %and3A_266 = arith.andi %ne3A_262, %ne3A_265 : i1
      %sub3A_267 = arith.constant 1 : i32
      %sub3A_268 = arith.subi %div3A_247, %sub3A_267 : i32
      %select_n3A_269 = arith.select %and3A_266, %sub3A_268, %div3A_247 : i32
      %parallel_loop3A_270 = arith.constant 0 : i32
      %parallel_loop3A_271 = arith.constant 48 : i32
      %parallel_loop3A_272 = arith.constant 1 : i32
      scf.for %parallel_loop3A_421 = %parallel_loop3A_270 to %parallel_loop3A_271 step %parallel_loop3A_272  : i32 {
        %parallel_loop3A_422 = arith.constant 16 : i32
        %parallel_loop3A_423 = arith.muli %parallel_loop3A_421, %parallel_loop3A_422 : i32
        %parallel_loop3A_424 = arith.index_cast %select_n3A_269 : i32 to index
        %parallel_loop3A_425 = arith.index_cast %parallel_loop3A_423 : i32 to index
        %parallel_loop3A_426 = tpu.vector_load %arg7[%parallel_loop3A_424, %parallel_loop3A_425] {strides = array<i32>} : memref<77x768xf32, #tpu.memory_space<vmem>>, vector<1x16xf32>,
        %parallel_loop3A_427 = vector.shape_cast %parallel_loop3A_426 : vector<1x16xf32> to vector<16xf32>
        %parallel_loop3A_428 = arith.constant 16 : i32
        %parallel_loop3A_429 = arith.muli %parallel_loop3A_421, %parallel_loop3A_428 : i32
        %parallel_loop3A_430 = arith.constant 0 : i32
        %parallel_loop3A_431 = arith.index_cast %parallel_loop3A_430 : i32 to index
        %parallel_loop3A_432 = arith.index_cast %parallel_loop3A_429 : i32 to index
        %parallel_loop3A_433 = tpu.vector_load %arg10[%parallel_loop3A_431, %parallel_loop3A_432] {strides = array<i32>} : memref<16x768xf32, #tpu.memory_space<vmem>>, vector<1x16xf32>,
        %parallel_loop3A_434 = vector.shape_cast %parallel_loop3A_433 : vector<1x16xf32> to vector<16xf32>
        %parallel_loop3A_435 = vector.shape_cast %parallel_loop3A_427 : vector<16xf32> to vector<1x16xf32>
        tpu.vector_store %arg10[%parallel_loop3A_431, %parallel_loop3A_432], %parallel_loop3A_435 {add = true, strides = array<i32>} : memref<16x768xf32, #tpu.memory_space<vmem>>, vector<1x16xf32>,
        %parallel_loop3A_436 = arith.constant 16 : i32
        %parallel_loop3A_437 = arith.muli %parallel_loop3A_421, %parallel_loop3A_436 : i32
        %parallel_loop3A_438 = arith.constant 1 : i32
        %parallel_loop3A_439 = arith.index_cast %parallel_loop3A_438 : i32 to index
        %parallel_loop3A_440 = arith.index_cast %parallel_loop3A_437 : i32 to index
        %parallel_loop3A_441 = tpu.vector_load %arg10[%parallel_loop3A_439, %parallel_loop3A_440] {strides = array<i32>} : memref<16x768xf32, #tpu.memory_space<vmem>>, vector<1x16xf32>,
        %parallel_loop3A_442 = vector.shape_cast %parallel_loop3A_441 : vector<1x16xf32> to vector<16xf32>
        %parallel_loop3A_443 = vector.shape_cast %parallel_loop3A_427 : vector<16xf32> to vector<1x16xf32>
        tpu.vector_store %arg10[%parallel_loop3A_439, %parallel_loop3A_440], %parallel_loop3A_443 {add = true, strides = array<i32>} : memref<16x768xf32, #tpu.memory_space<vmem>>, vector<1x16xf32>,
        %parallel_loop3A_444 = arith.constant 16 : i32
        %parallel_loop3A_445 = arith.muli %parallel_loop3A_421, %parallel_loop3A_444 : i32
        %parallel_loop3A_446 = arith.constant 2 : i32
        %parallel_loop3A_447 = arith.index_cast %parallel_loop3A_446 : i32 to index
        %parallel_loop3A_448 = arith.index_cast %parallel_loop3A_445 : i32 to index
        %parallel_loop3A_449 = tpu.vector_load %arg10[%parallel_loop3A_447, %parallel_loop3A_448] {strides = array<i32>} : memref<16x768xf32, #tpu.memory_space<vmem>>, vector<1x16xf32>,
        %parallel_loop3A_450 = vector.shape_cast %parallel_loop3A_449 : vector<1x16xf32> to vector<16xf32>
        %parallel_loop3A_451 = vector.shape_cast %parallel_loop3A_427 : vector<16xf32> to vector<1x16xf32>
        tpu.vector_store %arg10[%parallel_loop3A_447, %parallel_loop3A_448], %parallel_loop3A_451 {add = true, strides = array<i32>} : memref<16x768xf32, #tpu.memory_space<vmem>>, vector<1x16xf32>,
        %parallel_loop3A_452 = arith.constant 16 : i32
        %parallel_loop3A_453 = arith.muli %parallel_loop3A_421, %parallel_loop3A_452 : i32
        %parallel_loop3A_454 = arith.constant 3 : i32
        %parallel_loop3A_455 = arith.index_cast %parallel_loop3A_454 : i32 to index
        %parallel_loop3A_456 = arith.index_cast %parallel_loop3A_453 : i32 to index
        %parallel_loop3A_457 = tpu.vector_load %arg10[%parallel_loop3A_455, %parallel_loop3A_456] {strides = array<i32>} : memref<16x768xf32, #tpu.memory_space<vmem>>, vector<1x16xf32>,
        %parallel_loop3A_458 = vector.shape_cast %parallel_loop3A_457 : vector<1x16xf32> to vector<16xf32>
        %parallel_loop3A_459 = vector.shape_cast %parallel_loop3A_427 : vector<16xf32> to vector<1x16xf32>
        tpu.vector_store %arg10[%parallel_loop3A_455, %parallel_loop3A_456], %parallel_loop3A_459 {add = true, strides = array<i32>} : memref<16x768xf32, #tpu.memory_space<vmem>>, vector<1x16xf32>,
        %parallel_loop3A_460 = arith.constant 16 : i32
        %parallel_loop3A_461 = arith.muli %parallel_loop3A_421, %parallel_loop3A_460 : i32
        %parallel_loop3A_462 = arith.constant 4 : i32
        %parallel_loop3A_463 = arith.index_cast %parallel_loop3A_462 : i32 to index
        %parallel_loop3A_464 = arith.index_cast %parallel_loop3A_461 : i32 to index
        %parallel_loop3A_465 = tpu.vector_load %arg10[%parallel_loop3A_463, %parallel_loop3A_464] {strides = array<i32>} : memref<16x768xf32, #tpu.memory_space<vmem>>, vector<1x16xf32>,
        %parallel_loop3A_466 = vector.shape_cast %parallel_loop3A_465 : vector<1x16xf32> to vector<16xf32>
        %parallel_loop3A_467 = vector.shape_cast %parallel_loop3A_427 : vector<16xf32> to vector<1x16xf32>
        tpu.vector_store %arg10[%parallel_loop3A_463, %parallel_loop3A_464], %parallel_loop3A_467 {add = true, strides = array<i32>} : memref<16x768xf32, #tpu.memory_space<vmem>>, vector<1x16xf32>,
        %parallel_loop3A_468 = arith.constant 16 : i32
        %parallel_loop3A_469 = arith.muli %parallel_loop3A_421, %parallel_loop3A_468 : i32
        %parallel_loop3A_470 = arith.constant 5 : i32
        %parallel_loop3A_471 = arith.index_cast %parallel_loop3A_470 : i32 to index
        %parallel_loop3A_472 = arith.index_cast %parallel_loop3A_469 : i32 to index
        %parallel_loop3A_473 = tpu.vector_load %arg10[%parallel_loop3A_471, %parallel_loop3A_472] {strides = array<i32>} : memref<16x768xf32, #tpu.memory_space<vmem>>, vector<1x16xf32>,
        %parallel_loop3A_474 = vector.shape_cast %parallel_loop3A_473 : vector<1x16xf32> to vector<16xf32>
        %parallel_loop3A_475 = vector.shape_cast %parallel_loop3A_427 : vector<16xf32> to vector<1x16xf32>
        tpu.vector_store %arg10[%parallel_loop3A_471, %parallel_loop3A_472], %parallel_loop3A_475 {add = true, strides = array<i32>} : memref<16x768xf32, #tpu.memory_space<vmem>>, vector<1x16xf32>,
        %parallel_loop3A_476 = arith.constant 16 : i32
        %parallel_loop3A_477 = arith.muli %parallel_loop3A_421, %parallel_loop3A_476 : i32
        %parallel_loop3A_478 = arith.constant 6 : i32
        %parallel_loop3A_479 = arith.index_cast %parallel_loop3A_478 : i32 to index
        %parallel_loop3A_480 = arith.index_cast %parallel_loop3A_477 : i32 to index
        %parallel_loop3A_481 = tpu.vector_load %arg10[%parallel_loop3A_479, %parallel_loop3A_480] {strides = array<i32>} : memref<16x768xf32, #tpu.memory_space<vmem>>, vector<1x16xf32>,
        %parallel_loop3A_482 = vector.shape_cast %parallel_loop3A_481 : vector<1x16xf32> to vector<16xf32>
        %parallel_loop3A_483 = vector.shape_cast %parallel_loop3A_427 : vector<16xf32> to vector<1x16xf32>
        tpu.vector_store %arg10[%parallel_loop3A_479, %parallel_loop3A_480], %parallel_loop3A_483 {add = true, strides = array<i32>} : memref<16x768xf32, #tpu.memory_space<vmem>>, vector<1x16xf32>,
        %parallel_loop3A_484 = arith.constant 16 : i32
        %parallel_loop3A_485 = arith.muli %parallel_loop3A_421, %parallel_loop3A_484 : i32
        %parallel_loop3A_486 = arith.constant 7 : i32
        %parallel_loop3A_487 = arith.index_cast %parallel_loop3A_486 : i32 to index
        %parallel_loop3A_488 = arith.index_cast %parallel_loop3A_485 : i32 to index
        %parallel_loop3A_489 = tpu.vector_load %arg10[%parallel_loop3A_487, %parallel_loop3A_488] {strides = array<i32>} : memref<16x768xf32, #tpu.memory_space<vmem>>, vector<1x16xf32>,
        %parallel_loop3A_490 = vector.shape_cast %parallel_loop3A_489 : vector<1x16xf32> to vector<16xf32>
        %parallel_loop3A_491 = vector.shape_cast %parallel_loop3A_427 : vector<16xf32> to vector<1x16xf32>
        tpu.vector_store %arg10[%parallel_loop3A_487, %parallel_loop3A_488], %parallel_loop3A_491 {add = true, strides = array<i32>} : memref<16x768xf32, #tpu.memory_space<vmem>>, vector<1x16xf32>,
        %parallel_loop3A_492 = arith.constant 16 : i32
        %parallel_loop3A_493 = arith.muli %parallel_loop3A_421, %parallel_loop3A_492 : i32
        %parallel_loop3A_494 = arith.constant 8 : i32
        %parallel_loop3A_495 = arith.index_cast %parallel_loop3A_494 : i32 to index
        %parallel_loop3A_496 = arith.index_cast %parallel_loop3A_493 : i32 to index
        %parallel_loop3A_497 = tpu.vector_load %arg10[%parallel_loop3A_495, %parallel_loop3A_496] {strides = array<i32>} : memref<16x768xf32, #tpu.memory_space<vmem>>, vector<1x16xf32>,
        %parallel_loop3A_498 = vector.shape_cast %parallel_loop3A_497 : vector<1x16xf32> to vector<16xf32>
        %parallel_loop3A_499 = vector.shape_cast %parallel_loop3A_427 : vector<16xf32> to vector<1x16xf32>
        tpu.vector_store %arg10[%parallel_loop3A_495, %parallel_loop3A_496], %parallel_loop3A_499 {add = true, strides = array<i32>} : memref<16x768xf32, #tpu.memory_space<vmem>>, vector<1x16xf32>,
        %parallel_loop3A_500 = arith.constant 16 : i32
        %parallel_loop3A_501 = arith.muli %parallel_loop3A_421, %parallel_loop3A_500 : i32
        %parallel_loop3A_502 = arith.constant 9 : i32
        %parallel_loop3A_503 = arith.index_cast %parallel_loop3A_502 : i32 to index
        %parallel_loop3A_504 = arith.index_cast %parallel_loop3A_501 : i32 to index
        %parallel_loop3A_505 = tpu.vector_load %arg10[%parallel_loop3A_503, %parallel_loop3A_504] {strides = array<i32>} : memref<16x768xf32, #tpu.memory_space<vmem>>, vector<1x16xf32>,
        %parallel_loop3A_506 = vector.shape_cast %parallel_loop3A_505 : vector<1x16xf32> to vector<16xf32>
        %parallel_loop3A_507 = vector.shape_cast %parallel_loop3A_427 : vector<16xf32> to vector<1x16xf32>
        tpu.vector_store %arg10[%parallel_loop3A_503, %parallel_loop3A_504], %parallel_loop3A_507 {add = true, strides = array<i32>} : memref<16x768xf32, #tpu.memory_space<vmem>>, vector<1x16xf32>,
        %parallel_loop3A_508 = arith.constant 16 : i32
        %parallel_loop3A_509 = arith.muli %parallel_loop3A_421, %parallel_loop3A_508 : i32
        %parallel_loop3A_510 = arith.constant 10 : i32
        %parallel_loop3A_511 = arith.index_cast %parallel_loop3A_510 : i32 to index
        %parallel_loop3A_512 = arith.index_cast %parallel_loop3A_509 : i32 to index
        %parallel_loop3A_513 = tpu.vector_load %arg10[%parallel_loop3A_511, %parallel_loop3A_512] {strides = array<i32>} : memref<16x768xf32, #tpu.memory_space<vmem>>, vector<1x16xf32>,
        %parallel_loop3A_514 = vector.shape_cast %parallel_loop3A_513 : vector<1x16xf32> to vector<16xf32>
        %parallel_loop3A_515 = vector.shape_cast %parallel_loop3A_427 : vector<16xf32> to vector<1x16xf32>
        tpu.vector_store %arg10[%parallel_loop3A_511, %parallel_loop3A_512], %parallel_loop3A_515 {add = true, strides = array<i32>} : memref<16x768xf32, #tpu.memory_space<vmem>>, vector<1x16xf32>,
        %parallel_loop3A_516 = arith.constant 16 : i32
        %parallel_loop3A_517 = arith.muli %parallel_loop3A_421, %parallel_loop3A_516 : i32
        %parallel_loop3A_518 = arith.constant 11 : i32
        %parallel_loop3A_519 = arith.index_cast %parallel_loop3A_518 : i32 to index
        %parallel_loop3A_520 = arith.index_cast %parallel_loop3A_517 : i32 to index
        %parallel_loop3A_521 = tpu.vector_load %arg10[%parallel_loop3A_519, %parallel_loop3A_520] {strides = array<i32>} : memref<16x768xf32, #tpu.memory_space<vmem>>, vector<1x16xf32>,
        %parallel_loop3A_522 = vector.shape_cast %parallel_loop3A_521 : vector<1x16xf32> to vector<16xf32>
        %parallel_loop3A_523 = vector.shape_cast %parallel_loop3A_427 : vector<16xf32> to vector<1x16xf32>
        tpu.vector_store %arg10[%parallel_loop3A_519, %parallel_loop3A_520], %parallel_loop3A_523 {add = true, strides = array<i32>} : memref<16x768xf32, #tpu.memory_space<vmem>>, vector<1x16xf32>,
        %parallel_loop3A_524 = arith.constant 16 : i32
        %parallel_loop3A_525 = arith.muli %parallel_loop3A_421, %parallel_loop3A_524 : i32
        %parallel_loop3A_526 = arith.constant 12 : i32
        %parallel_loop3A_527 = arith.index_cast %parallel_loop3A_526 : i32 to index
        %parallel_loop3A_528 = arith.index_cast %parallel_loop3A_525 : i32 to index
        %parallel_loop3A_529 = tpu.vector_load %arg10[%parallel_loop3A_527, %parallel_loop3A_528] {strides = array<i32>} : memref<16x768xf32, #tpu.memory_space<vmem>>, vector<1x16xf32>,
        %parallel_loop3A_530 = vector.shape_cast %parallel_loop3A_529 : vector<1x16xf32> to vector<16xf32>
        %parallel_loop3A_531 = vector.shape_cast %parallel_loop3A_427 : vector<16xf32> to vector<1x16xf32>
        tpu.vector_store %arg10[%parallel_loop3A_527, %parallel_loop3A_528], %parallel_loop3A_531 {add = true, strides = array<i32>} : memref<16x768xf32, #tpu.memory_space<vmem>>, vector<1x16xf32>,
        %parallel_loop3A_532 = arith.constant 16 : i32
        %parallel_loop3A_533 = arith.muli %parallel_loop3A_421, %parallel_loop3A_532 : i32
        %parallel_loop3A_534 = arith.constant 13 : i32
        %parallel_loop3A_535 = arith.index_cast %parallel_loop3A_534 : i32 to index
        %parallel_loop3A_536 = arith.index_cast %parallel_loop3A_533 : i32 to index
        %parallel_loop3A_537 = tpu.vector_load %arg10[%parallel_loop3A_535, %parallel_loop3A_536] {strides = array<i32>} : memref<16x768xf32, #tpu.memory_space<vmem>>, vector<1x16xf32>,
        %parallel_loop3A_538 = vector.shape_cast %parallel_loop3A_537 : vector<1x16xf32> to vector<16xf32>
        %parallel_loop3A_539 = vector.shape_cast %parallel_loop3A_427 : vector<16xf32> to vector<1x16xf32>
        tpu.vector_store %arg10[%parallel_loop3A_535, %parallel_loop3A_536], %parallel_loop3A_539 {add = true, strides = array<i32>} : memref<16x768xf32, #tpu.memory_space<vmem>>, vector<1x16xf32>,
        %parallel_loop3A_540 = arith.constant 16 : i32
        %parallel_loop3A_541 = arith.muli %parallel_loop3A_421, %parallel_loop3A_540 : i32
        %parallel_loop3A_542 = arith.constant 14 : i32
        %parallel_loop3A_543 = arith.index_cast %parallel_loop3A_542 : i32 to index
        %parallel_loop3A_544 = arith.index_cast %parallel_loop3A_541 : i32 to index
        %parallel_loop3A_545 = tpu.vector_load %arg10[%parallel_loop3A_543, %parallel_loop3A_544] {strides = array<i32>} : memref<16x768xf32, #tpu.memory_space<vmem>>, vector<1x16xf32>,
        %parallel_loop3A_546 = vector.shape_cast %parallel_loop3A_545 : vector<1x16xf32> to vector<16xf32>
        %parallel_loop3A_547 = vector.shape_cast %parallel_loop3A_427 : vector<16xf32> to vector<1x16xf32>
        tpu.vector_store %arg10[%parallel_loop3A_543, %parallel_loop3A_544], %parallel_loop3A_547 {add = true, strides = array<i32>} : memref<16x768xf32, #tpu.memory_space<vmem>>, vector<1x16xf32>,
        %parallel_loop3A_548 = arith.constant 16 : i32
        %parallel_loop3A_549 = arith.muli %parallel_loop3A_421, %parallel_loop3A_548 : i32
        %parallel_loop3A_550 = arith.constant 15 : i32
        %parallel_loop3A_551 = arith.index_cast %parallel_loop3A_550 : i32 to index
        %parallel_loop3A_552 = arith.index_cast %parallel_loop3A_549 : i32 to index
        %parallel_loop3A_553 = tpu.vector_load %arg10[%parallel_loop3A_551, %parallel_loop3A_552] {strides = array<i32>} : memref<16x768xf32, #tpu.memory_space<vmem>>, vector<1x16xf32>,
        %parallel_loop3A_554 = vector.shape_cast %parallel_loop3A_553 : vector<1x16xf32> to vector<16xf32>
        %parallel_loop3A_555 = vector.shape_cast %parallel_loop3A_427 : vector<16xf32> to vector<1x16xf32>
        tpu.vector_store %arg10[%parallel_loop3A_551, %parallel_loop3A_552], %parallel_loop3A_555 {add = true, strides = array<i32>} : memref<16x768xf32, #tpu.memory_space<vmem>>, vector<1x16xf32>,
      } {sc.loop_unroll_factor = 2 : i64, sc.parallel_access}
      %jit3A_273 = arith.constant 8 : i32
      %div3A_274 = arith.divsi %add3A_226, %jit3A_273 : i32
      %sign3A_275 = arith.constant 0 : i32
      %sign3A_276 = arith.cmpi sgt, %add3A_226, %sign3A_275 : i32
      %sign3A_277 = arith.extui %sign3A_276 : i1 to i32
      %sign3A_278 = arith.constant 0 : i32
      %sign3A_279 = arith.cmpi slt, %add3A_226, %sign3A_278 : i32
      %sign3A_280 = arith.extui %sign3A_279 : i1 to i32
      %sign3A_281 = arith.subi %sign3A_277, %sign3A_280 : i32
      %sign3A_282 = arith.constant 0 : i32
      %sign3A_283 = arith.cmpi sgt, %jit3A_273, %sign3A_282 : i32
      %sign3A_284 = arith.extui %sign3A_283 : i1 to i32
      %sign3A_285 = arith.constant 0 : i32
      %sign3A_286 = arith.cmpi slt, %jit3A_273, %sign3A_285 : i32
      %sign3A_287 = arith.extui %sign3A_286 : i1 to i32
      %sign3A_288 = arith.subi %sign3A_284, %sign3A_287 : i32
      %ne3A_289 = arith.cmpi ne, %sign3A_281, %sign3A_288 : i32
      %rem3A_290 = arith.remsi %add3A_226, %jit3A_273 : i32
      %ne3A_291 = arith.constant 0 : i32
      %ne3A_292 = arith.cmpi ne, %rem3A_290, %ne3A_291 : i32
      %and3A_293 = arith.andi %ne3A_289, %ne3A_292 : i1
      %sub3A_294 = arith.constant 1 : i32
      %sub3A_295 = arith.subi %div3A_274, %sub3A_294 : i32
      %select_n3A_296 = arith.select %and3A_293, %sub3A_295, %div3A_274 : i32
      %jit3A_297 = arith.constant 8 : i32
      %eq3A_298 = arith.constant 0 : i32
      %eq3A_299 = arith.cmpi eq, %jit3A_297, %eq3A_298 : i32
      %jit3A_300 = arith.constant 1 : i32
      %select_n3A_301 = arith.select %eq3A_299, %jit3A_300, %jit3A_297 : i32
      %rem3A_302 = arith.remsi %add3A_226, %select_n3A_301 : i32
      %ne3A_303 = arith.constant 0 : i32
      %ne3A_304 = arith.cmpi ne, %rem3A_302, %ne3A_303 : i32
      %lt3A_305 = arith.constant 0 : i32
      %lt3A_306 = arith.cmpi slt, %rem3A_302, %lt3A_305 : i32
      %lt3A_307 = arith.constant 0 : i32
      %lt3A_308 = arith.cmpi slt, %select_n3A_301, %lt3A_307 : i32
      %ne3A_309 = arith.xori %lt3A_306, %lt3A_308 : i1
      %and3A_310 = arith.andi %ne3A_309, %ne3A_304 : i1
      %add3A_311 = arith.addi %rem3A_302, %select_n3A_301 : i32
      %select_n3A_312 = arith.select %and3A_310, %add3A_311, %rem3A_302 : i32
      %mul3A_313 = arith.constant 16 : i32
      %mul3A_314 = arith.muli %select_n3A_312, %mul3A_313 : i32
      %add3A_315 = arith.addi %mul3A_2, %mul3A_314 : i32
      %dma_start3A_316 = arith.constant 0 : i32
      %dma_start3A_317 = tpu.memref_slice %arg5[%select_n3A_296, %add3A_315, %dma_start3A_316] : memref<77x4096x768xf32, #tpu.memory_space<hbm>> -> memref<1x16x768xf32, #tpu.memory_space<hbm>>
      %dma_start3A_318 = tpu.memref_squeeze %dma_start3A_317 : memref<1x16x768xf32, #tpu.memory_space<hbm>> -> memref<16x768xf32, #tpu.memory_space<hbm>>
      %dma_start3A_319 = arith.constant 0 : i32
      %dma_start3A_320 = tpu.memref_slice %arg5[%select_n3A_296, %add3A_315, %dma_start3A_319] : memref<77x4096x768xf32, #tpu.memory_space<hbm>> -> memref<1x16x768xf32, #tpu.memory_space<hbm>>
      %dma_start3A_321 = tpu.memref_squeeze %dma_start3A_320 : memref<1x16x768xf32, #tpu.memory_space<hbm>> -> memref<16x768xf32, #tpu.memory_space<hbm>>
      tpu.enqueue_dma source(%arg10 : memref<16x768xf32, #tpu.memory_space<vmem>>) target(%dma_start3A_321 : memref<16x768xf32, #tpu.memory_space<hbm>>) target_semaphore(%arg18 : memref<!tpu.dma_semaphore, #tpu.memory_space<semaphore_mem>>)
      %mul3A_322 = arith.constant 4 : i32
      %mul3A_323 = arith.muli %scan3A_38, %mul3A_322 : i32
      %add3A_324 = arith.constant 3 : i32
      %add3A_325 = arith.addi %mul3A_323, %add3A_324 : i32
      %ge3A_326 = arith.constant 2 : i32
      %ge3A_327 = arith.cmpi sge, %add3A_325, %ge3A_326 : i32
      %convert_element_type3A_328 = arith.extui %ge3A_327 : i1 to i32
      %cond3A_329 = arith.constant 0 : i32
      %cond3A_330 = arith.cmpi ne, %convert_element_type3A_328, %cond3A_329 : i32
      scf.if %cond3A_330 {
        %sub3A_421 = arith.constant 2 : i32
        %sub3A_422 = arith.subi %add3A_325, %sub3A_421 : i32
        %jit3A_423 = arith.constant 8 : i32
        %div3A_424 = arith.divsi %sub3A_422, %jit3A_423 : i32
        %sign3A_425 = arith.constant 0 : i32
        %sign3A_426 = arith.cmpi sgt, %sub3A_422, %sign3A_425 : i32
        %sign3A_427 = arith.extui %sign3A_426 : i1 to i32
        %sign3A_428 = arith.constant 0 : i32
        %sign3A_429 = arith.cmpi slt, %sub3A_422, %sign3A_428 : i32
        %sign3A_430 = arith.extui %sign3A_429 : i1 to i32
        %sign3A_431 = arith.subi %sign3A_427, %sign3A_430 : i32
        %sign3A_432 = arith.constant 0 : i32
        %sign3A_433 = arith.cmpi sgt, %jit3A_423, %sign3A_432 : i32
        %sign3A_434 = arith.extui %sign3A_433 : i1 to i32
        %sign3A_435 = arith.constant 0 : i32
        %sign3A_436 = arith.cmpi slt, %jit3A_423, %sign3A_435 : i32
        %sign3A_437 = arith.extui %sign3A_436 : i1 to i32
        %sign3A_438 = arith.subi %sign3A_434, %sign3A_437 : i32
        %ne3A_439 = arith.cmpi ne, %sign3A_431, %sign3A_438 : i32
        %rem3A_440 = arith.remsi %sub3A_422, %jit3A_423 : i32
        %ne3A_441 = arith.constant 0 : i32
        %ne3A_442 = arith.cmpi ne, %rem3A_440, %ne3A_441 : i32
        %and3A_443 = arith.andi %ne3A_439, %ne3A_442 : i1
        %sub3A_444 = arith.constant 1 : i32
        %sub3A_445 = arith.subi %div3A_424, %sub3A_444 : i32
        %select_n3A_446 = arith.select %and3A_443, %sub3A_445, %div3A_424 : i32
        %jit3A_447 = arith.constant 8 : i32
        %eq3A_448 = arith.constant 0 : i32
        %eq3A_449 = arith.cmpi eq, %jit3A_447, %eq3A_448 : i32
        %jit3A_450 = arith.constant 1 : i32
        %select_n3A_451 = arith.select %eq3A_449, %jit3A_450, %jit3A_447 : i32
        %rem3A_452 = arith.remsi %sub3A_422, %select_n3A_451 : i32
        %ne3A_453 = arith.constant 0 : i32
        %ne3A_454 = arith.cmpi ne, %rem3A_452, %ne3A_453 : i32
        %lt3A_455 = arith.constant 0 : i32
        %lt3A_456 = arith.cmpi slt, %rem3A_452, %lt3A_455 : i32
        %lt3A_457 = arith.constant 0 : i32
        %lt3A_458 = arith.cmpi slt, %select_n3A_451, %lt3A_457 : i32
        %ne3A_459 = arith.xori %lt3A_456, %lt3A_458 : i1
        %and3A_460 = arith.andi %ne3A_459, %ne3A_454 : i1
        %add3A_461 = arith.addi %rem3A_452, %select_n3A_451 : i32
        %select_n3A_462 = arith.select %and3A_460, %add3A_461, %rem3A_452 : i32
        %mul3A_463 = arith.constant 16 : i32
        %mul3A_464 = arith.muli %select_n3A_462, %mul3A_463 : i32
        %add3A_465 = arith.addi %mul3A_2, %mul3A_464 : i32
        %dma_wait3A_466 = arith.constant 0 : i32
        %dma_wait3A_467 = tpu.memref_slice %arg5[%select_n3A_446, %add3A_465, %dma_wait3A_466] : memref<77x4096x768xf32, #tpu.memory_space<hbm>> -> memref<1x16x768xf32, #tpu.memory_space<hbm>>
        %dma_wait3A_468 = tpu.memref_squeeze %dma_wait3A_467 : memref<1x16x768xf32, #tpu.memory_space<hbm>> -> memref<16x768xf32, #tpu.memory_space<hbm>>
        %dma_wait3A_469 = arith.constant 0 : i32
        %dma_wait3A_470 = tpu.memref_slice %arg5[%select_n3A_446, %add3A_465, %dma_wait3A_469] : memref<77x4096x768xf32, #tpu.memory_space<hbm>> -> memref<1x16x768xf32, #tpu.memory_space<hbm>>
        %dma_wait3A_471 = tpu.memref_squeeze %dma_wait3A_470 : memref<1x16x768xf32, #tpu.memory_space<hbm>> -> memref<16x768xf32, #tpu.memory_space<hbm>>
        tpu.wait_dma2 semaphore(%arg17 : memref<!tpu.dma_semaphore, #tpu.memory_space<semaphore_mem>>) src(%arg9 : memref<16x768xf32, #tpu.memory_space<vmem>>) dst(%dma_wait3A_471 : memref<16x768xf32, #tpu.memory_space<hbm>>)
      } else {
      }
      %add3A_331 = arith.constant 2 : i32
      %add3A_332 = arith.addi %add3A_325, %add3A_331 : i32
      %lt3A_333 = arith.constant 616 : i32
      %lt3A_334 = arith.cmpi slt, %add3A_332, %lt3A_333 : i32
      %convert_element_type3A_335 = arith.extui %lt3A_334 : i1 to i32
      %cond3A_336 = arith.constant 0 : i32
      %cond3A_337 = arith.cmpi ne, %convert_element_type3A_335, %cond3A_336 : i32
      scf.if %cond3A_337 {
        %add3A_421 = arith.constant 2 : i32
        %add3A_422 = arith.addi %add3A_325, %add3A_421 : i32
        %jit3A_423 = arith.constant 8 : i32
        %div3A_424 = arith.divsi %add3A_422, %jit3A_423 : i32
        %sign3A_425 = arith.constant 0 : i32
        %sign3A_426 = arith.cmpi sgt, %add3A_422, %sign3A_425 : i32
        %sign3A_427 = arith.extui %sign3A_426 : i1 to i32
        %sign3A_428 = arith.constant 0 : i32
        %sign3A_429 = arith.cmpi slt, %add3A_422, %sign3A_428 : i32
        %sign3A_430 = arith.extui %sign3A_429 : i1 to i32
        %sign3A_431 = arith.subi %sign3A_427, %sign3A_430 : i32
        %sign3A_432 = arith.constant 0 : i32
        %sign3A_433 = arith.cmpi sgt, %jit3A_423, %sign3A_432 : i32
        %sign3A_434 = arith.extui %sign3A_433 : i1 to i32
        %sign3A_435 = arith.constant 0 : i32
        %sign3A_436 = arith.cmpi slt, %jit3A_423, %sign3A_435 : i32
        %sign3A_437 = arith.extui %sign3A_436 : i1 to i32
        %sign3A_438 = arith.subi %sign3A_434, %sign3A_437 : i32
        %ne3A_439 = arith.cmpi ne, %sign3A_431, %sign3A_438 : i32
        %rem3A_440 = arith.remsi %add3A_422, %jit3A_423 : i32
        %ne3A_441 = arith.constant 0 : i32
        %ne3A_442 = arith.cmpi ne, %rem3A_440, %ne3A_441 : i32
        %and3A_443 = arith.andi %ne3A_439, %ne3A_442 : i1
        %sub3A_444 = arith.constant 1 : i32
        %sub3A_445 = arith.subi %div3A_424, %sub3A_444 : i32
        %select_n3A_446 = arith.select %and3A_443, %sub3A_445, %div3A_424 : i32
        %jit3A_447 = arith.constant 8 : i32
        %eq3A_448 = arith.constant 0 : i32
        %eq3A_449 = arith.cmpi eq, %jit3A_447, %eq3A_448 : i32
        %jit3A_450 = arith.constant 1 : i32
        %select_n3A_451 = arith.select %eq3A_449, %jit3A_450, %jit3A_447 : i32
        %rem3A_452 = arith.remsi %add3A_422, %select_n3A_451 : i32
        %ne3A_453 = arith.constant 0 : i32
        %ne3A_454 = arith.cmpi ne, %rem3A_452, %ne3A_453 : i32
        %lt3A_455 = arith.constant 0 : i32
        %lt3A_456 = arith.cmpi slt, %rem3A_452, %lt3A_455 : i32
        %lt3A_457 = arith.constant 0 : i32
        %lt3A_458 = arith.cmpi slt, %select_n3A_451, %lt3A_457 : i32
        %ne3A_459 = arith.xori %lt3A_456, %lt3A_458 : i1
        %and3A_460 = arith.andi %ne3A_459, %ne3A_454 : i1
        %add3A_461 = arith.addi %rem3A_452, %select_n3A_451 : i32
        %select_n3A_462 = arith.select %and3A_460, %add3A_461, %rem3A_452 : i32
        %mul3A_463 = arith.constant 16 : i32
        %mul3A_464 = arith.muli %select_n3A_462, %mul3A_463 : i32
        %dma_start3A_465 = tpu.memref_slice %arg6[%select_n3A_446, %mul3A_464] : memref<77x128xi32, #tpu.memory_space<vmem>> -> memref<1x16xi32, #tpu.memory_space<vmem>>
        %dma_start3A_466 = tpu.memref_squeeze %dma_start3A_465 : memref<1x16xi32, #tpu.memory_space<vmem>> -> memref<16xi32, #tpu.memory_space<vmem>>
        %dma_start3A_467 = arith.constant 0 : i32
        %dma_start3A_468 = arith.constant 0 : i32
        %dma_start3A_469 = tpu.memref_slice %arg2[%dma_start3A_467, %dma_start3A_468] : memref<49408x768xf32, #tpu.memory_space<hbm>> -> memref<49408x768xf32, #tpu.memory_space<hbm>>
        tpu.enqueue_indirect_dma source(%dma_start3A_469 : memref<49408x768xf32, #tpu.memory_space<hbm>>) target(%arg9 : memref<16x768xf32, #tpu.memory_space<vmem>>) offsets(%dma_start3A_466 : memref<16xi32, #tpu.memory_space<vmem>>) semaphore(%arg13 : memref<!tpu.dma_semaphore, #tpu.memory_space<semaphore_mem>>)
      } else {
      }
      %dma_wait3A_338 = arith.constant 0 : i32
      %dma_wait3A_339 = arith.constant 0 : i32
      %dma_wait3A_340 = tpu.memref_slice %arg6[%dma_wait3A_338, %dma_wait3A_339] : memref<77x128xi32, #tpu.memory_space<vmem>> -> memref<1x16xi32, #tpu.memory_space<vmem>>
      %dma_wait3A_341 = tpu.memref_squeeze %dma_wait3A_340 : memref<1x16xi32, #tpu.memory_space<vmem>> -> memref<16xi32, #tpu.memory_space<vmem>>
      %dma_wait3A_342 = arith.constant 0 : i32
      %dma_wait3A_343 = arith.constant 0 : i32
      %dma_wait3A_344 = tpu.memref_slice %arg2[%dma_wait3A_342, %dma_wait3A_343] : memref<49408x768xf32, #tpu.memory_space<hbm>> -> memref<49408x768xf32, #tpu.memory_space<hbm>>
      tpu.wait_indirect_dma semaphore(%arg15 : memref<!tpu.dma_semaphore, #tpu.memory_space<semaphore_mem>>) src(%dma_wait3A_344 : memref<49408x768xf32, #tpu.memory_space<hbm>>) dst(%arg11 : memref<16x768xf32, #tpu.memory_space<vmem>>)
      %jit3A_345 = arith.constant 8 : i32
      %div3A_346 = arith.divsi %add3A_325, %jit3A_345 : i32
      %sign3A_347 = arith.constant 0 : i32
      %sign3A_348 = arith.cmpi sgt, %add3A_325, %sign3A_347 : i32
      %sign3A_349 = arith.extui %sign3A_348 : i1 to i32
      %sign3A_350 = arith.constant 0 : i32
      %sign3A_351 = arith.cmpi slt, %add3A_325, %sign3A_350 : i32
      %sign3A_352 = arith.extui %sign3A_351 : i1 to i32
      %sign3A_353 = arith.subi %sign3A_349, %sign3A_352 : i32
      %sign3A_354 = arith.constant 0 : i32
      %sign3A_355 = arith.cmpi sgt, %jit3A_345, %sign3A_354 : i32
      %sign3A_356 = arith.extui %sign3A_355 : i1 to i32
      %sign3A_357 = arith.constant 0 : i32
      %sign3A_358 = arith.cmpi slt, %jit3A_345, %sign3A_357 : i32
      %sign3A_359 = arith.extui %sign3A_358 : i1 to i32
      %sign3A_360 = arith.subi %sign3A_356, %sign3A_359 : i32
      %ne3A_361 = arith.cmpi ne, %sign3A_353, %sign3A_360 : i32
      %rem3A_362 = arith.remsi %add3A_325, %jit3A_345 : i32
      %ne3A_363 = arith.constant 0 : i32
      %ne3A_364 = arith.cmpi ne, %rem3A_362, %ne3A_363 : i32
      %and3A_365 = arith.andi %ne3A_361, %ne3A_364 : i1
      %sub3A_366 = arith.constant 1 : i32
      %sub3A_367 = arith.subi %div3A_346, %sub3A_366 : i32
      %select_n3A_368 = arith.select %and3A_365, %sub3A_367, %div3A_346 : i32
      %parallel_loop3A_369 = arith.constant 0 : i32
      %parallel_loop3A_370 = arith.constant 48 : i32
      %parallel_loop3A_371 = arith.constant 1 : i32
      scf.for %parallel_loop3A_421 = %parallel_loop3A_369 to %parallel_loop3A_370 step %parallel_loop3A_371  : i32 {
        %parallel_loop3A_422 = arith.constant 16 : i32
        %parallel_loop3A_423 = arith.muli %parallel_loop3A_421, %parallel_loop3A_422 : i32
        %parallel_loop3A_424 = arith.index_cast %select_n3A_368 : i32 to index
        %parallel_loop3A_425 = arith.index_cast %parallel_loop3A_423 : i32 to index
        %parallel_loop3A_426 = tpu.vector_load %arg7[%parallel_loop3A_424, %parallel_loop3A_425] {strides = array<i32>} : memref<77x768xf32, #tpu.memory_space<vmem>>, vector<1x16xf32>,
        %parallel_loop3A_427 = vector.shape_cast %parallel_loop3A_426 : vector<1x16xf32> to vector<16xf32>
        %parallel_loop3A_428 = arith.constant 16 : i32
        %parallel_loop3A_429 = arith.muli %parallel_loop3A_421, %parallel_loop3A_428 : i32
        %parallel_loop3A_430 = arith.constant 0 : i32
        %parallel_loop3A_431 = arith.index_cast %parallel_loop3A_430 : i32 to index
        %parallel_loop3A_432 = arith.index_cast %parallel_loop3A_429 : i32 to index
        %parallel_loop3A_433 = tpu.vector_load %arg11[%parallel_loop3A_431, %parallel_loop3A_432] {strides = array<i32>} : memref<16x768xf32, #tpu.memory_space<vmem>>, vector<1x16xf32>,
        %parallel_loop3A_434 = vector.shape_cast %parallel_loop3A_433 : vector<1x16xf32> to vector<16xf32>
        %parallel_loop3A_435 = vector.shape_cast %parallel_loop3A_427 : vector<16xf32> to vector<1x16xf32>
        tpu.vector_store %arg11[%parallel_loop3A_431, %parallel_loop3A_432], %parallel_loop3A_435 {add = true, strides = array<i32>} : memref<16x768xf32, #tpu.memory_space<vmem>>, vector<1x16xf32>,
        %parallel_loop3A_436 = arith.constant 16 : i32
        %parallel_loop3A_437 = arith.muli %parallel_loop3A_421, %parallel_loop3A_436 : i32
        %parallel_loop3A_438 = arith.constant 1 : i32
        %parallel_loop3A_439 = arith.index_cast %parallel_loop3A_438 : i32 to index
        %parallel_loop3A_440 = arith.index_cast %parallel_loop3A_437 : i32 to index
        %parallel_loop3A_441 = tpu.vector_load %arg11[%parallel_loop3A_439, %parallel_loop3A_440] {strides = array<i32>} : memref<16x768xf32, #tpu.memory_space<vmem>>, vector<1x16xf32>,
        %parallel_loop3A_442 = vector.shape_cast %parallel_loop3A_441 : vector<1x16xf32> to vector<16xf32>
        %parallel_loop3A_443 = vector.shape_cast %parallel_loop3A_427 : vector<16xf32> to vector<1x16xf32>
        tpu.vector_store %arg11[%parallel_loop3A_439, %parallel_loop3A_440], %parallel_loop3A_443 {add = true, strides = array<i32>} : memref<16x768xf32, #tpu.memory_space<vmem>>, vector<1x16xf32>,
        %parallel_loop3A_444 = arith.constant 16 : i32
        %parallel_loop3A_445 = arith.muli %parallel_loop3A_421, %parallel_loop3A_444 : i32
        %parallel_loop3A_446 = arith.constant 2 : i32
        %parallel_loop3A_447 = arith.index_cast %parallel_loop3A_446 : i32 to index
        %parallel_loop3A_448 = arith.index_cast %parallel_loop3A_445 : i32 to index
        %parallel_loop3A_449 = tpu.vector_load %arg11[%parallel_loop3A_447, %parallel_loop3A_448] {strides = array<i32>} : memref<16x768xf32, #tpu.memory_space<vmem>>, vector<1x16xf32>,
        %parallel_loop3A_450 = vector.shape_cast %parallel_loop3A_449 : vector<1x16xf32> to vector<16xf32>
        %parallel_loop3A_451 = vector.shape_cast %parallel_loop3A_427 : vector<16xf32> to vector<1x16xf32>
        tpu.vector_store %arg11[%parallel_loop3A_447, %parallel_loop3A_448], %parallel_loop3A_451 {add = true, strides = array<i32>} : memref<16x768xf32, #tpu.memory_space<vmem>>, vector<1x16xf32>,
        %parallel_loop3A_452 = arith.constant 16 : i32
        %parallel_loop3A_453 = arith.muli %parallel_loop3A_421, %parallel_loop3A_452 : i32
        %parallel_loop3A_454 = arith.constant 3 : i32
        %parallel_loop3A_455 = arith.index_cast %parallel_loop3A_454 : i32 to index
        %parallel_loop3A_456 = arith.index_cast %parallel_loop3A_453 : i32 to index
        %parallel_loop3A_457 = tpu.vector_load %arg11[%parallel_loop3A_455, %parallel_loop3A_456] {strides = array<i32>} : memref<16x768xf32, #tpu.memory_space<vmem>>, vector<1x16xf32>,
        %parallel_loop3A_458 = vector.shape_cast %parallel_loop3A_457 : vector<1x16xf32> to vector<16xf32>
        %parallel_loop3A_459 = vector.shape_cast %parallel_loop3A_427 : vector<16xf32> to vector<1x16xf32>
        tpu.vector_store %arg11[%parallel_loop3A_455, %parallel_loop3A_456], %parallel_loop3A_459 {add = true, strides = array<i32>} : memref<16x768xf32, #tpu.memory_space<vmem>>, vector<1x16xf32>,
        %parallel_loop3A_460 = arith.constant 16 : i32
        %parallel_loop3A_461 = arith.muli %parallel_loop3A_421, %parallel_loop3A_460 : i32
        %parallel_loop3A_462 = arith.constant 4 : i32
        %parallel_loop3A_463 = arith.index_cast %parallel_loop3A_462 : i32 to index
        %parallel_loop3A_464 = arith.index_cast %parallel_loop3A_461 : i32 to index
        %parallel_loop3A_465 = tpu.vector_load %arg11[%parallel_loop3A_463, %parallel_loop3A_464] {strides = array<i32>} : memref<16x768xf32, #tpu.memory_space<vmem>>, vector<1x16xf32>,
        %parallel_loop3A_466 = vector.shape_cast %parallel_loop3A_465 : vector<1x16xf32> to vector<16xf32>
        %parallel_loop3A_467 = vector.shape_cast %parallel_loop3A_427 : vector<16xf32> to vector<1x16xf32>
        tpu.vector_store %arg11[%parallel_loop3A_463, %parallel_loop3A_464], %parallel_loop3A_467 {add = true, strides = array<i32>} : memref<16x768xf32, #tpu.memory_space<vmem>>, vector<1x16xf32>,
        %parallel_loop3A_468 = arith.constant 16 : i32
        %parallel_loop3A_469 = arith.muli %parallel_loop3A_421, %parallel_loop3A_468 : i32
        %parallel_loop3A_470 = arith.constant 5 : i32
        %parallel_loop3A_471 = arith.index_cast %parallel_loop3A_470 : i32 to index
        %parallel_loop3A_472 = arith.index_cast %parallel_loop3A_469 : i32 to index
        %parallel_loop3A_473 = tpu.vector_load %arg11[%parallel_loop3A_471, %parallel_loop3A_472] {strides = array<i32>} : memref<16x768xf32, #tpu.memory_space<vmem>>, vector<1x16xf32>,
        %parallel_loop3A_474 = vector.shape_cast %parallel_loop3A_473 : vector<1x16xf32> to vector<16xf32>
        %parallel_loop3A_475 = vector.shape_cast %parallel_loop3A_427 : vector<16xf32> to vector<1x16xf32>
        tpu.vector_store %arg11[%parallel_loop3A_471, %parallel_loop3A_472], %parallel_loop3A_475 {add = true, strides = array<i32>} : memref<16x768xf32, #tpu.memory_space<vmem>>, vector<1x16xf32>,
        %parallel_loop3A_476 = arith.constant 16 : i32
        %parallel_loop3A_477 = arith.muli %parallel_loop3A_421, %parallel_loop3A_476 : i32
        %parallel_loop3A_478 = arith.constant 6 : i32
        %parallel_loop3A_479 = arith.index_cast %parallel_loop3A_478 : i32 to index
        %parallel_loop3A_480 = arith.index_cast %parallel_loop3A_477 : i32 to index
        %parallel_loop3A_481 = tpu.vector_load %arg11[%parallel_loop3A_479, %parallel_loop3A_480] {strides = array<i32>} : memref<16x768xf32, #tpu.memory_space<vmem>>, vector<1x16xf32>,
        %parallel_loop3A_482 = vector.shape_cast %parallel_loop3A_481 : vector<1x16xf32> to vector<16xf32>
        %parallel_loop3A_483 = vector.shape_cast %parallel_loop3A_427 : vector<16xf32> to vector<1x16xf32>
        tpu.vector_store %arg11[%parallel_loop3A_479, %parallel_loop3A_480], %parallel_loop3A_483 {add = true, strides = array<i32>} : memref<16x768xf32, #tpu.memory_space<vmem>>, vector<1x16xf32>,
        %parallel_loop3A_484 = arith.constant 16 : i32
        %parallel_loop3A_485 = arith.muli %parallel_loop3A_421, %parallel_loop3A_484 : i32
        %parallel_loop3A_486 = arith.constant 7 : i32
        %parallel_loop3A_487 = arith.index_cast %parallel_loop3A_486 : i32 to index
        %parallel_loop3A_488 = arith.index_cast %parallel_loop3A_485 : i32 to index
        %parallel_loop3A_489 = tpu.vector_load %arg11[%parallel_loop3A_487, %parallel_loop3A_488] {strides = array<i32>} : memref<16x768xf32, #tpu.memory_space<vmem>>, vector<1x16xf32>,
        %parallel_loop3A_490 = vector.shape_cast %parallel_loop3A_489 : vector<1x16xf32> to vector<16xf32>
        %parallel_loop3A_491 = vector.shape_cast %parallel_loop3A_427 : vector<16xf32> to vector<1x16xf32>
        tpu.vector_store %arg11[%parallel_loop3A_487, %parallel_loop3A_488], %parallel_loop3A_491 {add = true, strides = array<i32>} : memref<16x768xf32, #tpu.memory_space<vmem>>, vector<1x16xf32>,
        %parallel_loop3A_492 = arith.constant 16 : i32
        %parallel_loop3A_493 = arith.muli %parallel_loop3A_421, %parallel_loop3A_492 : i32
        %parallel_loop3A_494 = arith.constant 8 : i32
        %parallel_loop3A_495 = arith.index_cast %parallel_loop3A_494 : i32 to index
        %parallel_loop3A_496 = arith.index_cast %parallel_loop3A_493 : i32 to index
        %parallel_loop3A_497 = tpu.vector_load %arg11[%parallel_loop3A_495, %parallel_loop3A_496] {strides = array<i32>} : memref<16x768xf32, #tpu.memory_space<vmem>>, vector<1x16xf32>,
        %parallel_loop3A_498 = vector.shape_cast %parallel_loop3A_497 : vector<1x16xf32> to vector<16xf32>
        %parallel_loop3A_499 = vector.shape_cast %parallel_loop3A_427 : vector<16xf32> to vector<1x16xf32>
        tpu.vector_store %arg11[%parallel_loop3A_495, %parallel_loop3A_496], %parallel_loop3A_499 {add = true, strides = array<i32>} : memref<16x768xf32, #tpu.memory_space<vmem>>, vector<1x16xf32>,
        %parallel_loop3A_500 = arith.constant 16 : i32
        %parallel_loop3A_501 = arith.muli %parallel_loop3A_421, %parallel_loop3A_500 : i32
        %parallel_loop3A_502 = arith.constant 9 : i32
        %parallel_loop3A_503 = arith.index_cast %parallel_loop3A_502 : i32 to index
        %parallel_loop3A_504 = arith.index_cast %parallel_loop3A_501 : i32 to index
        %parallel_loop3A_505 = tpu.vector_load %arg11[%parallel_loop3A_503, %parallel_loop3A_504] {strides = array<i32>} : memref<16x768xf32, #tpu.memory_space<vmem>>, vector<1x16xf32>,
        %parallel_loop3A_506 = vector.shape_cast %parallel_loop3A_505 : vector<1x16xf32> to vector<16xf32>
        %parallel_loop3A_507 = vector.shape_cast %parallel_loop3A_427 : vector<16xf32> to vector<1x16xf32>
        tpu.vector_store %arg11[%parallel_loop3A_503, %parallel_loop3A_504], %parallel_loop3A_507 {add = true, strides = array<i32>} : memref<16x768xf32, #tpu.memory_space<vmem>>, vector<1x16xf32>,
        %parallel_loop3A_508 = arith.constant 16 : i32
        %parallel_loop3A_509 = arith.muli %parallel_loop3A_421, %parallel_loop3A_508 : i32
        %parallel_loop3A_510 = arith.constant 10 : i32
        %parallel_loop3A_511 = arith.index_cast %parallel_loop3A_510 : i32 to index
        %parallel_loop3A_512 = arith.index_cast %parallel_loop3A_509 : i32 to index
        %parallel_loop3A_513 = tpu.vector_load %arg11[%parallel_loop3A_511, %parallel_loop3A_512] {strides = array<i32>} : memref<16x768xf32, #tpu.memory_space<vmem>>, vector<1x16xf32>,
        %parallel_loop3A_514 = vector.shape_cast %parallel_loop3A_513 : vector<1x16xf32> to vector<16xf32>
        %parallel_loop3A_515 = vector.shape_cast %parallel_loop3A_427 : vector<16xf32> to vector<1x16xf32>
        tpu.vector_store %arg11[%parallel_loop3A_511, %parallel_loop3A_512], %parallel_loop3A_515 {add = true, strides = array<i32>} : memref<16x768xf32, #tpu.memory_space<vmem>>, vector<1x16xf32>,
        %parallel_loop3A_516 = arith.constant 16 : i32
        %parallel_loop3A_517 = arith.muli %parallel_loop3A_421, %parallel_loop3A_516 : i32
        %parallel_loop3A_518 = arith.constant 11 : i32
        %parallel_loop3A_519 = arith.index_cast %parallel_loop3A_518 : i32 to index
        %parallel_loop3A_520 = arith.index_cast %parallel_loop3A_517 : i32 to index
        %parallel_loop3A_521 = tpu.vector_load %arg11[%parallel_loop3A_519, %parallel_loop3A_520] {strides = array<i32>} : memref<16x768xf32, #tpu.memory_space<vmem>>, vector<1x16xf32>,
        %parallel_loop3A_522 = vector.shape_cast %parallel_loop3A_521 : vector<1x16xf32> to vector<16xf32>
        %parallel_loop3A_523 = vector.shape_cast %parallel_loop3A_427 : vector<16xf32> to vector<1x16xf32>
        tpu.vector_store %arg11[%parallel_loop3A_519, %parallel_loop3A_520], %parallel_loop3A_523 {add = true, strides = array<i32>} : memref<16x768xf32, #tpu.memory_space<vmem>>, vector<1x16xf32>,
        %parallel_loop3A_524 = arith.constant 16 : i32
        %parallel_loop3A_525 = arith.muli %parallel_loop3A_421, %parallel_loop3A_524 : i32
        %parallel_loop3A_526 = arith.constant 12 : i32
        %parallel_loop3A_527 = arith.index_cast %parallel_loop3A_526 : i32 to index
        %parallel_loop3A_528 = arith.index_cast %parallel_loop3A_525 : i32 to index
        %parallel_loop3A_529 = tpu.vector_load %arg11[%parallel_loop3A_527, %parallel_loop3A_528] {strides = array<i32>} : memref<16x768xf32, #tpu.memory_space<vmem>>, vector<1x16xf32>,
        %parallel_loop3A_530 = vector.shape_cast %parallel_loop3A_529 : vector<1x16xf32> to vector<16xf32>
        %parallel_loop3A_531 = vector.shape_cast %parallel_loop3A_427 : vector<16xf32> to vector<1x16xf32>
        tpu.vector_store %arg11[%parallel_loop3A_527, %parallel_loop3A_528], %parallel_loop3A_531 {add = true, strides = array<i32>} : memref<16x768xf32, #tpu.memory_space<vmem>>, vector<1x16xf32>,
        %parallel_loop3A_532 = arith.constant 16 : i32
        %parallel_loop3A_533 = arith.muli %parallel_loop3A_421, %parallel_loop3A_532 : i32
        %parallel_loop3A_534 = arith.constant 13 : i32
        %parallel_loop3A_535 = arith.index_cast %parallel_loop3A_534 : i32 to index
        %parallel_loop3A_536 = arith.index_cast %parallel_loop3A_533 : i32 to index
        %parallel_loop3A_537 = tpu.vector_load %arg11[%parallel_loop3A_535, %parallel_loop3A_536] {strides = array<i32>} : memref<16x768xf32, #tpu.memory_space<vmem>>, vector<1x16xf32>,
        %parallel_loop3A_538 = vector.shape_cast %parallel_loop3A_537 : vector<1x16xf32> to vector<16xf32>
        %parallel_loop3A_539 = vector.shape_cast %parallel_loop3A_427 : vector<16xf32> to vector<1x16xf32>
        tpu.vector_store %arg11[%parallel_loop3A_535, %parallel_loop3A_536], %parallel_loop3A_539 {add = true, strides = array<i32>} : memref<16x768xf32, #tpu.memory_space<vmem>>, vector<1x16xf32>,
        %parallel_loop3A_540 = arith.constant 16 : i32
        %parallel_loop3A_541 = arith.muli %parallel_loop3A_421, %parallel_loop3A_540 : i32
        %parallel_loop3A_542 = arith.constant 14 : i32
        %parallel_loop3A_543 = arith.index_cast %parallel_loop3A_542 : i32 to index
        %parallel_loop3A_544 = arith.index_cast %parallel_loop3A_541 : i32 to index
        %parallel_loop3A_545 = tpu.vector_load %arg11[%parallel_loop3A_543, %parallel_loop3A_544] {strides = array<i32>} : memref<16x768xf32, #tpu.memory_space<vmem>>, vector<1x16xf32>,
        %parallel_loop3A_546 = vector.shape_cast %parallel_loop3A_545 : vector<1x16xf32> to vector<16xf32>
        %parallel_loop3A_547 = vector.shape_cast %parallel_loop3A_427 : vector<16xf32> to vector<1x16xf32>
        tpu.vector_store %arg11[%parallel_loop3A_543, %parallel_loop3A_544], %parallel_loop3A_547 {add = true, strides = array<i32>} : memref<16x768xf32, #tpu.memory_space<vmem>>, vector<1x16xf32>,
        %parallel_loop3A_548 = arith.constant 16 : i32
        %parallel_loop3A_549 = arith.muli %parallel_loop3A_421, %parallel_loop3A_548 : i32
        %parallel_loop3A_550 = arith.constant 15 : i32
        %parallel_loop3A_551 = arith.index_cast %parallel_loop3A_550 : i32 to index
        %parallel_loop3A_552 = arith.index_cast %parallel_loop3A_549 : i32 to index
        %parallel_loop3A_553 = tpu.vector_load %arg11[%parallel_loop3A_551, %parallel_loop3A_552] {strides = array<i32>} : memref<16x768xf32, #tpu.memory_space<vmem>>, vector<1x16xf32>,
        %parallel_loop3A_554 = vector.shape_cast %parallel_loop3A_553 : vector<1x16xf32> to vector<16xf32>
        %parallel_loop3A_555 = vector.shape_cast %parallel_loop3A_427 : vector<16xf32> to vector<1x16xf32>
        tpu.vector_store %arg11[%parallel_loop3A_551, %parallel_loop3A_552], %parallel_loop3A_555 {add = true, strides = array<i32>} : memref<16x768xf32, #tpu.memory_space<vmem>>, vector<1x16xf32>,
      } {sc.loop_unroll_factor = 2 : i64, sc.parallel_access}
      %jit3A_372 = arith.constant 8 : i32
      %div3A_373 = arith.divsi %add3A_325, %jit3A_372 : i32
      %sign3A_374 = arith.constant 0 : i32
      %sign3A_375 = arith.cmpi sgt, %add3A_325, %sign3A_374 : i32
      %sign3A_376 = arith.extui %sign3A_375 : i1 to i32
      %sign3A_377 = arith.constant 0 : i32
      %sign3A_378 = arith.cmpi slt, %add3A_325, %sign3A_377 : i32
      %sign3A_379 = arith.extui %sign3A_378 : i1 to i32
      %sign3A_380 = arith.subi %sign3A_376, %sign3A_379 : i32
      %sign3A_381 = arith.constant 0 : i32
      %sign3A_382 = arith.cmpi sgt, %jit3A_372, %sign3A_381 : i32
      %sign3A_383 = arith.extui %sign3A_382 : i1 to i32
      %sign3A_384 = arith.constant 0 : i32
      %sign3A_385 = arith.cmpi slt, %jit3A_372, %sign3A_384 : i32
      %sign3A_386 = arith.extui %sign3A_385 : i1 to i32
      %sign3A_387 = arith.subi %sign3A_383, %sign3A_386 : i32
      %ne3A_388 = arith.cmpi ne, %sign3A_380, %sign3A_387 : i32
      %rem3A_389 = arith.remsi %add3A_325, %jit3A_372 : i32
      %ne3A_390 = arith.constant 0 : i32
      %ne3A_391 = arith.cmpi ne, %rem3A_389, %ne3A_390 : i32
      %and3A_392 = arith.andi %ne3A_388, %ne3A_391 : i1
      %sub3A_393 = arith.constant 1 : i32
      %sub3A_394 = arith.subi %div3A_373, %sub3A_393 : i32
      %select_n3A_395 = arith.select %and3A_392, %sub3A_394, %div3A_373 : i32
      %jit3A_396 = arith.constant 8 : i32
      %eq3A_397 = arith.constant 0 : i32
      %eq3A_398 = arith.cmpi eq, %jit3A_396, %eq3A_397 : i32
      %jit3A_399 = arith.constant 1 : i32
      %select_n3A_400 = arith.select %eq3A_398, %jit3A_399, %jit3A_396 : i32
      %rem3A_401 = arith.remsi %add3A_325, %select_n3A_400 : i32
      %ne3A_402 = arith.constant 0 : i32
      %ne3A_403 = arith.cmpi ne, %rem3A_401, %ne3A_402 : i32
      %lt3A_404 = arith.constant 0 : i32
      %lt3A_405 = arith.cmpi slt, %rem3A_401, %lt3A_404 : i32
      %lt3A_406 = arith.constant 0 : i32
      %lt3A_407 = arith.cmpi slt, %select_n3A_400, %lt3A_406 : i32
      %ne3A_408 = arith.xori %lt3A_405, %lt3A_407 : i1
      %and3A_409 = arith.andi %ne3A_408, %ne3A_403 : i1
      %add3A_410 = arith.addi %rem3A_401, %select_n3A_400 : i32
      %select_n3A_411 = arith.select %and3A_409, %add3A_410, %rem3A_401 : i32
      %mul3A_412 = arith.constant 16 : i32
      %mul3A_413 = arith.muli %select_n3A_411, %mul3A_412 : i32
      %add3A_414 = arith.addi %mul3A_2, %mul3A_413 : i32
      %dma_start3A_415 = arith.constant 0 : i32
      %dma_start3A_416 = tpu.memref_slice %arg5[%select_n3A_395, %add3A_414, %dma_start3A_415] : memref<77x4096x768xf32, #tpu.memory_space<hbm>> -> memref<1x16x768xf32, #tpu.memory_space<hbm>>
      %dma_start3A_417 = tpu.memref_squeeze %dma_start3A_416 : memref<1x16x768xf32, #tpu.memory_space<hbm>> -> memref<16x768xf32, #tpu.memory_space<hbm>>
      %dma_start3A_418 = arith.constant 0 : i32
      %dma_start3A_419 = tpu.memref_slice %arg5[%select_n3A_395, %add3A_414, %dma_start3A_418] : memref<77x4096x768xf32, #tpu.memory_space<hbm>> -> memref<1x16x768xf32, #tpu.memory_space<hbm>>
      %dma_start3A_420 = tpu.memref_squeeze %dma_start3A_419 : memref<1x16x768xf32, #tpu.memory_space<hbm>> -> memref<16x768xf32, #tpu.memory_space<hbm>>
      tpu.enqueue_dma source(%arg11 : memref<16x768xf32, #tpu.memory_space<vmem>>) target(%dma_start3A_420 : memref<16x768xf32, #tpu.memory_space<hbm>>) target_semaphore(%arg19 : memref<!tpu.dma_semaphore, #tpu.memory_space<semaphore_mem>>)
    }
    %scan3A_20 = arith.constant 154 : i32
    %add3A_21 = arith.constant 96 : i32
    %add3A_22 = arith.addi %mul3A_2, %add3A_21 : i32
    %dma_wait3A = arith.constant 76 : i32
    %dma_wait3A_23 = arith.constant 0 : i32
    %dma_wait3A_24 = tpu.memref_slice %arg5[%dma_wait3A, %add3A_22, %dma_wait3A_23] : memref<77x4096x768xf32, #tpu.memory_space<hbm>> -> memref<1x16x768xf32, #tpu.memory_space<hbm>>
    %dma_wait3A_25 = tpu.memref_squeeze %dma_wait3A_24 : memref<1x16x768xf32, #tpu.memory_space<hbm>> -> memref<16x768xf32, #tpu.memory_space<hbm>>
    %dma_wait3A_26 = arith.constant 0 : i32
    %dma_wait3A_27 = tpu.memref_slice %arg5[%dma_wait3A, %add3A_22, %dma_wait3A_26] : memref<77x4096x768xf32, #tpu.memory_space<hbm>> -> memref<1x16x768xf32, #tpu.memory_space<hbm>>
    %dma_wait3A_28 = tpu.memref_squeeze %dma_wait3A_27 : memref<1x16x768xf32, #tpu.memory_space<hbm>> -> memref<16x768xf32, #tpu.memory_space<hbm>>
    tpu.wait_dma2 semaphore(%arg18 : memref<!tpu.dma_semaphore, #tpu.memory_space<semaphore_mem>>) src(%arg10 : memref<16x768xf32, #tpu.memory_space<vmem>>) dst(%dma_wait3A_28 : memref<16x768xf32, #tpu.memory_space<hbm>>)
    %add3A_29 = arith.constant 112 : i32
    %add3A_30 = arith.addi %mul3A_2, %add3A_29 : i32
    %dma_wait3A_31 = arith.constant 76 : i32
    %dma_wait3A_32 = arith.constant 0 : i32
    %dma_wait3A_33 = tpu.memref_slice %arg5[%dma_wait3A_31, %add3A_30, %dma_wait3A_32] : memref<77x4096x768xf32, #tpu.memory_space<hbm>> -> memref<1x16x768xf32, #tpu.memory_space<hbm>>
    %dma_wait3A_34 = tpu.memref_squeeze %dma_wait3A_33 : memref<1x16x768xf32, #tpu.memory_space<hbm>> -> memref<16x768xf32, #tpu.memory_space<hbm>>
    %dma_wait3A_35 = arith.constant 0 : i32
    %dma_wait3A_36 = tpu.memref_slice %arg5[%dma_wait3A_31, %add3A_30, %dma_wait3A_35] : memref<77x4096x768xf32, #tpu.memory_space<hbm>> -> memref<1x16x768xf32, #tpu.memory_space<hbm>>
    %dma_wait3A_37 = tpu.memref_squeeze %dma_wait3A_36 : memref<1x16x768xf32, #tpu.memory_space<hbm>> -> memref<16x768xf32, #tpu.memory_space<hbm>>
    tpu.wait_dma2 semaphore(%arg19 : memref<!tpu.dma_semaphore, #tpu.memory_space<semaphore_mem>>) src(%arg11 : memref<16x768xf32, #tpu.memory_space<vmem>>) dst(%dma_wait3A_37 : memref<16x768xf32, #tpu.memory_space<hbm>>)
    return
  }
}

</mosaic_0001>

<sc_bundles>
// kernel: kernel.3.cloned.1.call-start
scs
__scs_entry_jumppad:
0x0: {  	(pc) =	sbr.rel $0x88, $3  }
0x1: {  	(tag) =	ssettag $0x0;
	lr =	simm.s32 $0x1  }
0x2: {  	[smem:$0x3F9E] =	sst lr;
	_ =	strace $0xD0000000  }
0x3: {  	_ = 	snop  }
0x4: {  	_ = 	snop  }
0x5: {  	_ = 	snop  }
0x6: {  	_ = 	snop  }
0x7: {  	_ = 	snop  }
__scs_overlays_trampoline_lowered:
0x8: {  	[smem:$0x3FAD] =	sst s0  }
0x9: {  	[smem:$0x3FAE] =	sst s1  }
0xa: {  	[smem:$0x3FAF] =	sst s2  }
0xb: {  	[smem:$0x3FB0] =	sst s3  }
0xc: {  	[smem:$0x3FB1] =	sst s4  }
0xd: {  	[smem:$0x3FB2] =	sst s5  }
0xe: {  	[smem:$0x3FB3] =	sst s6  }
0xf: {  	[smem:$0x3FB4] =	sst s7  }
0x10: {  	[smem:$0x3FB5] =	sst s8  }
0x11: {  	[smem:$0x3FB6] =	sst s9;
	s0 =	simm.s32 @!p0 $0x0  }
0x12: {  	s1 =	sld [smem:$0x3F9C];
	s0 =	simm.s32 @p0 $0x1  }
0x13: {  	[smem:$0x3FB7] =	sst s0;
	s0 =	simm.s32 @!p1 $0x0  }
0x14: {  	s2 =	sld [smem:$0x3F9B];
	s0 =	simm.s32 @p1 $0x1  }
0x15: {  	[smem:$0x3FB8] =	sst s0;
	s0 =	simm.s32 @!p2 $0x0  }
0x16: {  	s3 =	sld [smem:$0x3FDB];
	s0 =	simm.s32 @p2 $0x1  }
0x17: {  	s4 =	simm.s32 $0x1BF5;
	[smem:$0x3FBA] =	sst s0  }
0x18: {  	s0 =	sld [smem:$0x3F9D];
	_ =	swait.ge [sflag:s4], $0x0  }
0x19: {  	s7 =	sld [smem:$0x3F9E]  }
0x1a: {  	s8 =	sadd.s32 $0xFFFFE003, lr  }
0x1b: {  	s9 =	sadd.s32 $0xFFFFFEF7, lr;
	s5 =	simm.s32 $0xFFFFFFFF;
	p2 =	slt.u32 s8, $0xFFFFF086  }
0x1c: {  	p1 =	slt.u32 s9, $0xF7A;
	s5 =	simm.s32 @!p2 $0x0  }
0x1d: {  	s5 =	simm.s32 @p1 $0x1;
	p0 =	seq.s32 s7, s2  }
0x1e: {  	s7 =	smul.u32 @!p0 $0xF7A, s2;
	p2 =	seq.s32 @!p0 s5, $0x0  }
0x1f: {  	s9 =	smul.u32 $0xF7A, s1;
	s8 =	simm.s32 @!p0 $0x1BF5;
	p2 =	por !p2, p0  }
0x20: {  	[sflag:s8] =	ssyncset.s32 @!p0 $0xFFFFF086;
	s6 =	sadd.s32 @!p0 s3, s7;
	s7 =	simm.s32 @!p0 $0x108  }
0x21: {  	s3 =	sadd.s32 s3, s9;
	s6 =	sadd.s32 @!p0 $0x88, s6;
	s7 =	simm.s32 @p2 $0x1082  }
0x22: {  	[simem:s7], [sflag:s8] =	dma.local @!p0 [hbm:s6], $0xF7A  }
0x23: {  	s9 =	sor.u32 $0xD0000000, s2;
	s6 =	simm.s32 $0x108;
	_ =	swait.ge @!p0 [sflag:s8], $0x0  }
0x24: {  	s3 =	sadd.s32 $0x88, s3;
	s6 =	simm.s32 @!p1 $0x1082;
	[sflag:s4] =	ssyncset.s32 $0xFFFFF086  }
0x25: {  	[simem:s6], [sflag:s4] =	dma.local [hbm:s3], $0xF7A  }
0x26: {  	[smem:$0x3F9E] =	sst s1;
	(tag) =	ssettag s2;
	_ =	strace s9  }
0x27: {  	s1 =	sld [smem:$0x3FAE]  }
0x28: {  	s2 =	sld [smem:$0x3FAF]  }
0x29: {  	s4 =	sld [smem:$0x3FB1]  }
0x2a: {  	p0 =	seq.s32 s5, $0x0;
	s5 =	sld [smem:$0x3FB2]  }
0x2b: {  	s6 =	sld [smem:$0x3FB3]  }
0x2c: {  	s7 =	sld [smem:$0x3FB4]  }
0x2d: {  	s3 =	simm.s32 $0x108;
	s8 =	sld [smem:$0x3FB5]  }
0x2e: {  	s3 =	simm.s32 @!p0 $0x1082;
	s9 =	sld [smem:$0x3FB6]  }
0x2f: {  	lr =	sadd.s32 s0, s3;
	s0 =	sld [smem:$0x3FAD]  }
0x30: {  	s3 =	sld [smem:$0x3FB0]  }
0x31: {  	[smem:$0x3FB9] =	sst s10  }
0x32: {  	s10 =	sld [smem:$0x3FB7];
	_ =	sdelay $0x3  }
0x33: {  	p0 =	seq.s32 s10, $0x1;
	s10 =	sld [smem:$0x3FB9];
	_ =	sdelay $0x3  }
0x34: {  	[smem:$0x3FB9] =	sst s10  }
0x35: {  	s10 =	sld [smem:$0x3FB8];
	_ =	sdelay $0x3  }
0x36: {  	p1 =	seq.s32 s10, $0x1;
	s10 =	sld [smem:$0x3FB9];
	_ =	sdelay $0x3  }
0x37: {  	[smem:$0x3FB9] =	sst s10  }
0x38: {  	s10 =	sld [smem:$0x3FBA]  }
0x39: {  	_ = 	snop;
	(pc) =	sbr.ind lr, $3  }
0x3a: {  	_ = 	snop  }
0x3b: {  	_ = 	snop  }
0x3c: {  	p2 =	seq.s32 s10, $0x1;
	s10 =	sld [smem:$0x3FB9]  }
0x3d: {  	_ =	shalt  }
0x3e: {  	_ =	shalt  }
0x3f: {  	_ =	shalt  }
0x40: {  	_ =	shalt  }
0x41: {  	_ =	shalt  }
0x42: {  	_ =	shalt  }
0x43: {  	_ =	shalt  }
0x44: {  	_ =	shalt  }
0x45: {  	_ =	shalt  }
0x46: {  	_ =	shalt  }
0x47: {  	_ =	shalt  }
0x48: {  	_ =	shalt  }
0x49: {  	_ =	shalt  }
0x4a: {  	_ =	shalt  }
0x4b: {  	_ =	shalt  }
0x4c: {  	_ =	shalt  }
0x4d: {  	_ =	shalt  }
0x4e: {  	_ =	shalt  }
0x4f: {  	_ =	shalt  }
0x50: {  	_ =	shalt  }
0x51: {  	_ =	shalt  }
0x52: {  	_ =	shalt  }
0x53: {  	_ =	shalt  }
0x54: {  	_ =	shalt  }
0x55: {  	_ =	shalt  }
0x56: {  	_ =	shalt  }
0x57: {  	_ =	shalt  }
0x58: {  	_ =	shalt  }
0x59: {  	_ =	shalt  }
0x5a: {  	_ =	shalt  }
0x5b: {  	_ =	shalt  }
0x5c: {  	_ =	shalt  }
0x5d: {  	_ =	shalt  }
0x5e: {  	_ =	shalt  }
0x5f: {  	_ =	shalt  }
0x60: {  	_ =	shalt  }
0x61: {  	_ =	shalt  }
0x62: {  	_ =	shalt  }
0x63: {  	_ =	shalt  }
0x64: {  	_ =	shalt  }
0x65: {  	_ =	shalt  }
0x66: {  	_ =	shalt  }
0x67: {  	_ =	shalt  }
0x68: {  	_ =	shalt  }
0x69: {  	_ =	shalt  }
0x6a: {  	_ =	shalt  }
0x6b: {  	_ =	shalt  }
0x6c: {  	_ =	shalt  }
0x6d: {  	_ =	shalt  }
0x6e: {  	_ =	shalt  }
0x6f: {  	_ =	shalt  }
0x70: {  	_ =	shalt  }
0x71: {  	_ =	shalt  }
0x72: {  	_ =	shalt  }
0x73: {  	_ =	shalt  }
0x74: {  	_ =	shalt  }
0x75: {  	_ =	shalt  }
0x76: {  	_ =	shalt  }
0x77: {  	_ =	shalt  }
0x78: {  	_ =	shalt  }
0x79: {  	_ =	shalt  }
0x7a: {  	_ =	shalt  }
0x7b: {  	_ =	shalt  }
0x7c: {  	_ =	shalt  }
0x7d: {  	_ =	shalt  }
0x7e: {  	_ =	shalt  }
0x7f: {  	_ =	shalt  }
0x80: {  	_ =	shalt  }
0x81: {  	_ =	shalt  }
0x82: {  	_ =	shalt  }
0x83: {  	_ =	shalt  }
0x84: {  	_ =	shalt  }
0x85: {  	_ =	shalt  }
0x86: {  	_ =	shalt  }
0x87: {  	_ =	shalt  }
.Lfunc_end0:
.L_simem_size_0:
called_computation_lowered:
.L_overlay_start_0:
0x88: {  	s2 =	sld [smem:$0x3FD9]  }
0x89: {  	s3 =	sld [smem:$0x3FFE];
	_ =	sdelay $0x1  }
0x8a: {  	s1 =	srdreg.scid  }
0x8b: {  	s0 =	sand.u32 $0x1, s1  }
0x8c: {  	s18 =	sshll.u32 s0, $0xA;
	s2 =	sadd.s32 s3, s2  }
0x8d: {  	s2 =	sadd.s32 s2, s18  }
0x8e: {  	[smem:$0x3FC5] =	sst s2  }
0x8f: {  	_ = 	snop  }
0x90: {  	s2 =	sld [smem:$0x3FC9]  }
0x91: {  	s19 =	sld [smem:$0x3FC8]  }
0x92: {  	s4 =	sld [smem:$0x3FC7]  }
0x93: {  	s5 =	sld [smem:$0x3FD0];
	(tm) =	ssettm $0x1  }
0x94: {  	s6 =	sld [smem:$0x3FFB];
	_ =	sdelay $0x3  }
0x95: {  	_ =	strace s6  }
0x96: {  	s6 =	sld [smem:$0x3FFC];
	_ =	sdelay $0x3  }
0x97: {  	_ =	strace s6  }
0x98: {  	s6 =	sld [smem:$0x3FFD];
	_ =	sdelay $0x3  }
0x99: {  	_ =	strace s6  }
0x9a: {  	_ =	strace $0x8FFFFFFF  }
0x9b: {  	s20 =	sld [smem:$0x3FDB];
	_ =	sdelay $0x1  }
0x9c: {  	s7 =	simm.s32 $_scs_section_size  }
0x9d: {  	s8 =	simm.s32 $_size__tile_overlayer_lowered;
	s9 =	simm.s32 $_tile_overlayer_lowered  }
0x9e: {  	s23 =	simm.s32 $0x1BFF;
	s22 =	sshll.u32 s9, $0x1;
	s6 =	sadd.s32 s7, s20  }
0x9f: {  	s10 =	simm.s32 $0x0;
	s21 =	sshll.u32 s8, $0x1;
	s8 =	sadd.s32 s22, s6  }
0xa0: {  	[timem:s10], [sflag:s23] =	dma.local [hbm:s8], s21  }
0xa1: {  	_ =	swait.ge [sflag:s23], s21  }
0xa2: {  	s7 =	ssub.s32 $0x0, s21;
	[sflag:s23] =	ssyncset.done $0x0  }
0xa3: {  	[sflag:s23] =	ssyncadd.s32 s7;
	_ =	sdelay $0x1  }
0xa4: {  	s24 =	simm.s32 $0x1B8B  }
0xa5: {  	_ =	swait.ge [sflag:s24], $0x1  }
0xa6: {  	[sflag:s24] =	ssyncset.done $0x0  }
0xa7: {  	s25 =	simm.s32 $0x1B8E;
	[sflag:s24] =	ssyncadd.s32 $0xFFFFFFFF  }
0xa8: {  	s26 =	simm.s32 $execute0_lowered;
	[smem:$0x3FD2] =	sst s25  }
0xa9: {  	s7 =	sshll.u32 s26, $0x1;
	_ =	strace $0x80000046;
	[dreg:$0x1] =	wrdreg $0xFFFFFFFF  }
0xaa: {  	s28 =	simm.s32 $_size_execute0_lowered;
	s6 =	sadd.s32 s6, s7;
	[dreg:$0x0] =	wrdreg $0x0  }
0xab: {  	s7 =	sshll.u32 s28, $0x1;
	[dreg:$0x2] =	wrdreg s6  }
0xac: {  	[dreg:$0x3] =	wrdreg s7  }
0xad: {  	[dreg:$0x4] =	wrdreg $0xC0  }
0xae: {  	_ =	task [dreg:s10], $0x5FFFF  }
0xaf: {  	[dreg:$0x1] =	wrdreg $0xFFFFFFFF  }
0xb0: {  	[dreg:$0x0] =	wrdreg $0x60  }
0xb1: {  	[dreg:$0x2] =	wrdreg s19  }
0xb2: {  	[dreg:$0x3] =	wrdreg s2  }
0xb3: {  	[dreg:$0x4] =	wrdreg s4  }
0xb4: {  	[dreg:$0x5] =	wrdreg s5  }
0xb5: {  	[dreg:$0x6] =	wrdreg $0x9  }
0xb6: {  	_ =	task.clear_ibuf [dreg:s10], $0x7FFFF;
	_ =	strace $0x90000046  }
0xb7: {  	s29 =	simm.s32 $0x9;
	_ =	strace $0x80000048  }
0xb8: {  	_ =	swait.ge [sflag:s29], $0x1  }
0xb9: {  	[sflag:s29] =	ssyncadd.s32 $0xFFFFFFFF  }
0xba: {  	_ =	strace $0x90000048  }
0xbb: {  	_ =	sfence  }
0xbc: {  	s30 =	sld [smem:$0x0];
	_ =	sdelay $0x2  }
0xbd: {  	s31 =	sshll.u32 s1, $0xD;
	s1 =	sshrl.u32 s1, $0x2  }
0xbe: {  	s3 =	sand.u32 $0x4000, s31;
	s1 =	sadd.s32 s1, s30  }
0xbf: {  	s0 =	sor.u32 s3, s0;
	s1 =	sshll.u32 s1, $0x11  }
0xc0: {  	s0 =	sor.u32 s1, s0  }
0xc1: {  	s0 =	sadd.s32 $0x8F2B, s0  }
0xc2: {  	[sflag:s0] =	ssyncadd.remote.s32 $0x1  }
0xc3: {  	_ =	sfence.sel $0xFFFF  }
0xc4: {  	[dreg:$0x0] =	wrdreg $0xFFFFFFFF;
	(pc) =	sbr.abs _section_cstart, $3  }
0xc5: {  	[dreg:$0x1] =	wrdreg $0xFFFFFFFF  }
0xc6: {  	_ =	task.clear_ibuf [dreg:s10], $0x2FFFF;
	_ =	strace $0x9FFFFFFF  }
0xc7: {  	(tm) =	ssettm $0x7FFFFFFF  }
tec
execute0_lowered:
.L_overlay_start_1:
0x0: {  	(tag) =	ssettag $0x1  }
0x1: {  	s1 =	rddreg [dreg:$0x0]  }
0x2: {  	s0 =	rddreg [dreg:$0x1]  }
0x3: {  	s2 =	srdreg.scid;
	s4 =	stileid.u32  }
0x4: {  	s5 =	simm.s32 $0x0;
	s2 =	sand.u32 $0x1, s2;
	s4 =	sshll.u32 s4, $0x8  }
0x5: {  	[smem:$0x7FF] =	sst s5;
	s3 =	ssub.s32 $0x2, s2;
	s2 =	sshll.u32 s2, $0x7  }
0x6: {  	_ =	strace $0x80000047;
	s29 =	sshrl.u32 s3, $0x1;
	s4 =	sor.u32 s2, s4  }
0x7: {  	s30 =	ssub.s32 s3, s29;
	[dreg:$0x5] =	wrdreg s4;
	s0 =	sadd.s32 s0, s4  }
0x8: {  	v2 =	vlaneseq.u32;
	s31 =	smax.u32 s30, $0x1;
	[dreg:$0x6] =	wrdreg s0  }
0x9: {  	vm0 =	vmmov $0xffff;
	s8 =	sadd.s32 $0x100, s1;
	v1 =	vshrl.u32 v2, $0x3;
	s0 =	sadd.s32 $0x9000, s0;
	[dreg:$0x7] =	wrdreg s31  }
0xa: {  	s9 =	sadd.s32 $0x200, s1;
	v0 =	vand.u32 $0x7, v2;
	v2 =	vor.u32 $0x8, v2;
	v1 =	vmul.u32 $0x8, v1;
	s2 =	simm.s32 $0x0;
	[dreg:$0x8] =	wrdreg s0  }
.LBB2_1:
0xb: {  	[dreg:$0x9] =	wrdreg s2  }
0xc: {  	s0 =	rddreg [dreg:$0x2]  }
0xd: {  	s1 =	simm.s32 $0x0;
	s13 =	simm.s32 $0x2800;
	s14 =	simm.s32 $0x9  }
0xe: {  	[tilespmem:s13], [sflag:$0x9] =	stream.linear.gather [hbm4b:s0+s1], $0xF000, $0x38;
	[tilespmem:$0x1D800] =	vst v63  }
0xf: {  	_ =	swait.ge [sflag:s14], $0xF000  }
0x10: {  	s3 =	simm.s32 $0x400;
	[sflag:s14] =	ssyncset.done $0x0  }
0x11: {  	s4 =	simm.s32 $0x8000;
	s15 =	rddreg [dreg:$0x6];
	[sflag:s14] =	ssyncadd.s32 $0xFFFF1000  }
0x12: {  	[tilespmem:s1], [sflag:$0x9] =	stream.strided.gather [hbm4b:s15+s3], $0x2400, s4, s3, $0x38;
	[tilespmem:$0x1D800] =	vst v63  }
0x13: {  	s17 =	simm.s32 $0x2400;
	s16 =	rddreg [dreg:$0x8]  }
0x14: {  	[tilespmem:s17], [sflag:$0x9] =	stream.linear.gather [hbm4b:s16+s1], $0x280, $0x38;
	[tilespmem:$0x1D800] =	vst v63  }
0x15: {  	_ =	swait.ge [sflag:s14], $0x2680  }
0x16: {  	[sflag:s14] =	ssyncset.done $0x0  }
0x17: {  	[sflag:s14] =	ssyncadd.s32 $0xFFFFD980  }
0x18: {  	v3 =	vld [tilespmem:$0x0];
	_ =	sdelay $0x4  }
0x19: {  	v4 =	vshrl.u32 v3, $0x3  }
0x1a: {  	v4 =	vmul.u32 $0x30, v4  }
0x1b: {  	v3 =	vand.u32 $0x7, v3  }
0x1c: {  	v3 =	vor.u32 v3, v4  }
0x1d: {  	v4 =	vperm.xlane v3, v0;
	_ =	sdelay $0x1  }
0x1e: {  	v4 =	vadd.s32 v1, v4;
	_ =	sdelay $0x3  }
0x1f: {  	s19 =	simm.s32 $0x11800;
	s18 =	rddreg [dreg:$0x0];
	v3 =	vperm.xlane v3, v2  }
0x20: {  	[tilespmem:s19], [sflag:$0x1] =	stream.indirect_vreg.gather [hbm4b:s18+s1], $0x80, v4, vm0, $0xb8;
	[tilespmem:$0x1D800] =	vst v63  }
0x21: {  	s20 =	simm.s32 $0x12000;
	v3 =	vadd.s32 v1, v3  }
0x22: {  	[tilespmem:s20], [sflag:$0x1] =	stream.indirect_vreg.gather [hbm4b:s8+s1], $0x80, v4, vm0, $0xb8;
	[tilespmem:$0x1D800] =	vst v63  }
0x23: {  	s21 =	simm.s32 $0x12800  }
0x24: {  	[tilespmem:s21], [sflag:$0x1] =	stream.indirect_vreg.gather [hbm4b:s9+s1], $0x80, v4, vm0, $0xb8;
	[tilespmem:$0x1D800] =	vst v63  }
0x25: {  	s22 =	simm.s32 $0x13000  }
0x26: {  	[tilespmem:s22], [sflag:$0x1] =	stream.indirect_vreg.gather [hbm4b:s18+s1], $0x80, v3, vm0, $0xb8;
	[tilespmem:$0x1D800] =	vst v63  }
0x27: {  	s23 =	simm.s32 $0x13800  }
0x28: {  	[tilespmem:s23], [sflag:$0x1] =	stream.indirect_vreg.gather [hbm4b:s8+s1], $0x80, v3, vm0, $0xb8;
	[tilespmem:$0x1D800] =	vst v63  }
0x29: {  	s24 =	simm.s32 $0x14000  }
0x2a: {  	[tilespmem:s24], [sflag:$0x1] =	stream.indirect_vreg.gather [hbm4b:s9+s1], $0x80, v3, vm0, $0xb8;
	[tilespmem:$0x1D800] =	vst v63  }
0x2b: {  	v3 =	vld [tilespmem:$0x10];
	_ =	sdelay $0x4  }
0x2c: {  	v63 =	vshrl.u32 v3, $0x3  }
0x2d: {  	v4 =	vmul.u32 $0x30, v63  }
0x2e: {  	v3 =	vand.u32 $0x7, v3  }
0x2f: {  	v3 =	vor.u32 v3, v4  }
0x30: {  	v4 =	vperm.xlane v3, v0;
	_ =	sdelay $0x1  }
0x31: {  	v4 =	vadd.s32 v1, v4;
	_ =	sdelay $0x3  }
0x32: {  	s25 =	simm.s32 $0x14800;
	v3 =	vperm.xlane v3, v2  }
0x33: {  	[tilespmem:s25], [sflag:$0x2] =	stream.indirect_vreg.gather [hbm4b:s18+s1], $0x80, v4, vm0, $0xb8;
	[tilespmem:$0x1D800] =	vst v63  }
0x34: {  	s26 =	simm.s32 $0x15000;
	v3 =	vadd.s32 v1, v3  }
0x35: {  	[tilespmem:s26], [sflag:$0x2] =	stream.indirect_vreg.gather [hbm4b:s8+s1], $0x80, v4, vm0, $0xb8;
	[tilespmem:$0x1D800] =	vst v63  }
0x36: {  	s28 =	simm.s32 $0x15800  }
0x37: {  	[tilespmem:s28], [sflag:$0x2] =	stream.indirect_vreg.gather [hbm4b:s9+s1], $0x80, v4, vm0, $0xb8;
	[tilespmem:$0x1D800] =	vst v63  }
0x38: {  	s29 =	simm.s32 $0x16000  }
0x39: {  	[tilespmem:s29], [sflag:$0x2] =	stream.indirect_vreg.gather [hbm4b:s18+s1], $0x80, v3, vm0, $0xb8;
	[tilespmem:$0x1D800] =	vst v63  }
0x3a: {  	s30 =	simm.s32 $0x16800  }
0x3b: {  	[tilespmem:s30], [sflag:$0x2] =	stream.indirect_vreg.gather [hbm4b:s8+s1], $0x80, v3, vm0, $0xb8;
	[tilespmem:$0x1D800] =	vst v63  }
0x3c: {  	s31 =	simm.s32 $0x17000;
	s7 =	simm.s32 $0x0  }
0x3d: {  	[tilespmem:s31], [sflag:$0x2] =	stream.indirect_vreg.gather [hbm4b:s9+s1], $0x80, v3, vm0, $0xb8;
	[tilespmem:$0x1D800] =	vst v63  }
.LBB2_2:
0x3e: {  	p0 =	seq.s32 s7, $0x0  }
0x3f: {  	s4 =	sshll.u32 s7, $0x6;
	s2 =	simm.s32 @!p0 $0x7  }
0x40: {  	s12 =	sand.u32 $0x40, s4;
	_ =	swait.ge @!p0 [sflag:s2], $0x3000  }
0x41: {  	s0 =	sand.u32 $0x3F80, s4;
	s1 =	sor.u32 $0x20, s12;
	[sflag:s2] =	ssyncset.done @!p0 $0x0  }
0x42: {  	s15 =	sor.u32 s1, s0;
	[sflag:s2] =	ssyncadd.s32 @!p0 $0xFFFFD000  }
0x43: {  	v3 =	vld [tilespmem:s15+$0x0];
	_ =	sdelay $0x4  }
0x44: {  	v4 =	vshrl.u32 v3, $0x3  }
0x45: {  	v4 =	vmul.u32 $0x30, v4  }
0x46: {  	v3 =	vand.u32 $0x7, v3  }
0x47: {  	v3 =	vor.u32 v3, v4  }
0x48: {  	v4 =	vperm.xlane v3, v0;
	_ =	sdelay $0x1  }
0x49: {  	v4 =	vadd.s32 v1, v4;
	_ =	sdelay $0x3  }
0x4a: {  	s3 =	simm.s32 $0x0;
	s17 =	simm.s32 $0x17800;
	s16 =	rddreg [dreg:$0x0];
	v3 =	vperm.xlane v3, v2  }
0x4b: {  	[tilespmem:s17], [sflag:$0x3] =	stream.indirect_vreg.gather [hbm4b:s16+s3], $0x80, v4, vm0, $0xb8;
	[tilespmem:$0x1D800] =	vst v63  }
0x4c: {  	s18 =	simm.s32 $0x18000;
	v3 =	vadd.s32 v1, v3  }
0x4d: {  	[tilespmem:s18], [sflag:$0x3] =	stream.indirect_vreg.gather [hbm4b:s8+s3], $0x80, v4, vm0, $0xb8;
	[tilespmem:$0x1D800] =	vst v63  }
0x4e: {  	s19 =	simm.s32 $0x18800;
	s20 =	simm.s32 $0x19000;
	s22 =	sshrl.u32 s7, $0x4  }
0x4f: {  	[tilespmem:s19], [sflag:$0x3] =	stream.indirect_vreg.gather [hbm4b:s9+s3], $0x80, v4, vm0, $0xb8;
	[tilespmem:$0x1D800] =	vst v63  }
0x50: {  	s21 =	simm.s32 $0x19800;
	s23 =	simm.s32 $0x1A000;
	s2 =	smul.u32 $0x6000, s22  }
0x51: {  	[tilespmem:s20], [sflag:$0x3] =	stream.indirect_vreg.gather [hbm4b:s16+s3], $0x80, v3, vm0, $0xb8;
	[tilespmem:$0x1D800] =	vst v63  }
0x52: {  	s24 =	simm.s32 $0x1;
	s4 =	sand.u32 $0x380, s4;
	s2 =	sshra.s32 s2, $0x2  }
0x53: {  	[tilespmem:s21], [sflag:$0x3] =	stream.indirect_vreg.gather [hbm4b:s8+s3], $0x80, v3, vm0, $0xb8;
	[tilespmem:$0x1D800] =	vst v63  }
0x54: {  	s11 =	sand.u32 $0x60, s3;
	[dreg:$0xb] =	wrdreg s1;
	s2 =	sor.u32 s4, s2  }
0x55: {  	[tilespmem:s23], [sflag:$0x3] =	stream.indirect_vreg.gather [hbm4b:s9+s3], $0x80, v3, vm0, $0xb8;
	[tilespmem:$0x1D800] =	vst v63  }
0x56: {  	s25 =	sand.u32 $0x1C00, s3;
	s29 =	sadd.s32 $0x2800, s2;
	_ =	swait.ge [sflag:s24], $0x3000  }
0x57: {  	s5 =	sor.u32 $0x10, s11;
	s26 =	sadd.s32 s25, s29;
	[sflag:s24] =	ssyncset.done $0x0  }
0x58: {  	s6 =	sadd.s32 s5, s26;
	[sflag:s24] =	ssyncadd.s32 $0xFFFFD000  }
0x59: {  	s4 =	sadd.s32 s11, s26;
	v4 =	vld [tilespmem:s6+$0x0]  }
0x5a: {  	v3 =	vld [tilespmem:s4+$0x0];
	_ =	sdelay $0x1  }
0x5b: {  	s30 =	sadd.s32 $0x11800, s25  }
0x5c: {  	s31 =	sor.u32 s5, s30  }
0x5d: {  	s30 =	sor.u32 s11, s30;
	[tilespmem:s31+$0x0] =	vst.add.f32.msk $0xffff, v4  }
0x5e: {  	s10 =	sor.u32 $0x80, s31;
	s1 =	sor.u32 $0x100, s31;
	s14 =	sor.u32 $0x180, s31;
	[tilespmem:s30+$0x0] =	vst.add.f32.msk $0xffff, v3  }
0x5f: {  	s15 =	sor.u32 $0x200, s31;
	s4 =	sor.u32 $0x280, s31;
	s31 =	sor.u32 $0x80, s30;
	[tilespmem:s10+$0x0] =	vst.add.f32.msk $0xffff, v4  }
0x60: {  	[tilespmem:s31+$0x0] =	vst.add.f32.msk $0xffff, v3  }
0x61: {  	[tilespmem:s1+$0x0] =	vst.add.f32.msk $0xffff, v4  }
0x62: {  	s13 =	sand.u32 $0x3, s3;
	s1 =	sor.u32 $0x100, s30;
	[tilespmem:s14+$0x0] =	vst.add.f32.msk $0xffff, v4  }
0x63: {  	s13 =	sshll.u32 s13, $0x5;
	[tilespmem:s1+$0x0] =	vst.add.f32.msk $0xffff, v3  }
0x64: {  	s13 =	sadd.s32 $0x0, s13;
	s6 =	sor.u32 $0x180, s30;
	[tilespmem:s15+$0x0] =	vst.add.f32.msk $0xffff, v4  }
0x65: {  	s16 =	sadd.s32 $0x10, s13;
	[tilespmem:s6+$0x0] =	vst.add.f32.msk $0xffff, v3  }
0x66: {  	s17 =	sor.u32 $0x300, s16;
	[tilespmem:s4+$0x0] =	vst.add.f32.msk $0xffff, v4  }
0x67: {  	s18 =	sor.u32 $0x380, s16;
	s14 =	sadd.s32 $0x13000, s25;
	[tilespmem:s17+$0x11800] =	vst.add.f32.msk $0xffff, v4  }
0x68: {  	s16 =	sadd.s32 $0x13080, s25;
	s19 =	sor.u32 s5, s14;
	[tilespmem:s18+$0x11800] =	vst.add.f32.msk $0xffff, v4  }
0x69: {  	s20 =	sor.u32 s5, s16;
	s17 =	sadd.s32 $0x13100, s25;
	[tilespmem:s19+$0x0] =	vst.add.f32.msk $0xffff, v4  }
0x6a: {  	s18 =	sadd.s32 $0x13180, s25;
	s21 =	sor.u32 s5, s17;
	[tilespmem:s20+$0x0] =	vst.add.f32.msk $0xffff, v4  }
0x6b: {  	s19 =	sadd.s32 $0x13200, s25;
	s22 =	sor.u32 s5, s18;
	[tilespmem:s21+$0x0] =	vst.add.f32.msk $0xffff, v4  }
0x6c: {  	s20 =	sadd.s32 $0x13280, s25;
	s23 =	sor.u32 s5, s19;
	[tilespmem:s22+$0x0] =	vst.add.f32.msk $0xffff, v4  }
0x6d: {  	s21 =	sadd.s32 $0x13300, s25;
	s24 =	sor.u32 s5, s20;
	[tilespmem:s23+$0x0] =	vst.add.f32.msk $0xffff, v4  }
0x6e: {  	s22 =	sadd.s32 $0x13380, s25;
	s25 =	sor.u32 s5, s21;
	[tilespmem:s24+$0x0] =	vst.add.f32.msk $0xffff, v4  }
0x6f: {  	s26 =	sor.u32 s5, s22;
	[tilespmem:s25+$0x0] =	vst.add.f32.msk $0xffff, v4  }
0x70: {  	s15 =	sshll.u32 s7, $0x2;
	[tilespmem:s26+$0x0] =	vst.add.f32.msk $0xffff, v4  }
0x71: {  	s10 =	sor.u32 $0x200, s30;
	[dreg:$0xc] =	wrdreg s15  }
0x72: {  	s23 =	sor.u32 $0x280, s30;
	[tilespmem:s10+$0x0] =	vst.add.f32.msk $0xffff, v3  }
0x73: {  	s2 =	simm.s32 $0x0;
	s24 =	sor.u32 s3, s3;
	s25 =	sor.u32 $0x300, s13;
	[tilespmem:s23+$0x0] =	vst.add.f32.msk $0xffff, v3  }
0x74: {  	s31 =	sor.u32 s11, s16;
	s16 =	simm.s32 $0x20;
	s26 =	sor.u32 $0x380, s24;
	[tilespmem:s25+$0x11800] =	vst.add.f32.msk $0xffff, v3  }
0x75: {  	s6 =	sor.u32 s11, s17;
	s4 =	sor.u32 s11, s19;
	s30 =	sor.u32 s11, s14;
	[tilespmem:s26+$0x11800] =	vst.add.f32.msk $0xffff, v3  }
0x76: {  	s28 =	sor.u32 s11, s20;
	s22 =	sor.u32 s11, s22;
	s24 =	sor.u32 s11, s21;
	[tilespmem:s30+$0x0] =	vst.add.f32.msk $0xffff, v3  }
0x77: {  	s10 =	sshrl.u32 s7, $0x1;
	s26 =	sor.u32 s11, s18;
	s11 =	simm.s32 $0x100;
	[tilespmem:s31+$0x0] =	vst.add.f32.msk $0xffff, v3  }
.LBB2_3:
0x78: {  	s19 =	sand.u32 $0x60, s16;
	s21 =	sand.u32 $0x1C00, s11;
	s5 =	sor.u32 s11, s16;
	[tilespmem:s6+$0x0] =	vst.add.f32.msk $0xffff, v3  }
0x79: {  	s6 =	sadd.s32 s21, s29;
	s18 =	sor.u32 $0x380, s5;
	s20 =	sor.u32 $0x10, s19;
	[tilespmem:s26+$0x0] =	vst.add.f32.msk $0xffff, v3  }
0x7a: {  	s5 =	sadd.s32 s19, s6;
	s6 =	sadd.s32 s20, s6;
	[tilespmem:s4+$0x0] =	vst.add.f32.msk $0xffff, v3  }
0x7b: {  	v4 =	vld [tilespmem:s6+$0x0]  }
0x7c: {  	v5 =	vld [tilespmem:s5+$0x0]  }
0x7d: {  	[tilespmem:s28+$0x0] =	vst.add.f32.msk $0xffff, v3  }
0x7e: {  	s4 =	sadd.s32 $0x11800, s21;
	[tilespmem:s24+$0x0] =	vst.add.f32.msk $0xffff, v3  }
0x7f: {  	s17 =	sor.u32 s19, s4;
	s4 =	sor.u32 s20, s4;
	[tilespmem:s22+$0x0] =	vst.add.f32.msk $0xffff, v3  }
0x80: {  	s3 =	sadd.s32 $0x1, s3;
	s23 =	sor.u32 $0x80, s17;
	s5 =	sor.u32 $0x80, s4;
	[tilespmem:s4+$0x0] =	vst.add.f32.msk $0xffff, v4  }
0x81: {  	s6 =	sand.u32 $0x3, s3;
	s30 =	sor.u32 $0x100, s17;
	[tilespmem:s5+$0x0] =	vst.add.f32.msk $0xffff, v4;
	s5 =	sor.u32 $0x100, s4;
	v3 =	vmov v5  }
0x82: {  	s6 =	sshll.u32 s6, $0x5;
	s14 =	sor.u32 $0x180, s17;
	[tilespmem:s5+$0x0] =	vst.add.f32.msk $0xffff, v4;
	s5 =	sor.u32 $0x180, s4  }
0x83: {  	s13 =	sor.u32 $0x200, s17;
	s6 =	sadd.s32 s6, s11;
	[tilespmem:s5+$0x0] =	vst.add.f32.msk $0xffff, v4;
	s5 =	sor.u32 $0x200, s4  }
0x84: {  	s25 =	sor.u32 $0x280, s17;
	s22 =	sadd.s32 $0x10, s6;
	s4 =	sor.u32 $0x280, s4;
	[tilespmem:s5+$0x0] =	vst.add.f32.msk $0xffff, v4  }
0x85: {  	s5 =	sor.u32 $0x300, s6;
	[tilespmem:s4+$0x0] =	vst.add.f32.msk $0xffff, v4;
	s4 =	sor.u32 $0x300, s22  }
0x86: {  	s6 =	sadd.s32 $0x13000, s21;
	[tilespmem:s4+$0x11800] =	vst.add.f32.msk $0xffff, v4;
	s4 =	sor.u32 $0x380, s22  }
0x87: {  	s2 =	sadd.s32 $0x2, s2;
	s22 =	sadd.s32 $0x13080, s21;
	[tilespmem:s4+$0x11800] =	vst.add.f32.msk $0xffff, v4;
	s4 =	sor.u32 s20, s6  }
0x88: {  	p1 =	slt.u32 s2, $0x2E;
	s24 =	sadd.s32 $0x13100, s21;
	[tilespmem:s4+$0x0] =	vst.add.f32.msk $0xffff, v4;
	s4 =	sor.u32 s20, s22  }
0x89: {  	s26 =	sadd.s32 $0x13180, s21;
	s1 =	sor.u32 s19, s6;
	[tilespmem:s4+$0x0] =	vst.add.f32.msk $0xffff, v4;
	s4 =	sor.u32 s20, s24  }
0x8a: {  	s15 =	sor.u32 s19, s22;
	s22 =	sadd.s32 $0x13200, s21;
	[tilespmem:s4+$0x0] =	vst.add.f32.msk $0xffff, v4;
	s4 =	sor.u32 s20, s26  }
0x8b: {  	s6 =	sor.u32 s19, s24;
	s24 =	sadd.s32 $0x13280, s21;
	[tilespmem:s4+$0x0] =	vst.add.f32.msk $0xffff, v4;
	s4 =	sor.u32 s20, s22  }
0x8c: {  	s31 =	sadd.s32 $0x13300, s21;
	s26 =	sor.u32 s19, s26;
	s28 =	sor.u32 s20, s24;
	[tilespmem:s4+$0x0] =	vst.add.f32.msk $0xffff, v4  }
0x8d: {  	s21 =	sadd.s32 $0x13380, s21;
	s4 =	sor.u32 s19, s22;
	s22 =	sor.u32 s20, s31;
	[tilespmem:s28+$0x0] =	vst.add.f32.msk $0xffff, v4  }
0x8e: {  	s20 =	sor.u32 s20, s21;
	s28 =	sor.u32 s19, s24;
	s24 =	sor.u32 s19, s31;
	[tilespmem:s22+$0x0] =	vst.add.f32.msk $0xffff, v4  }
0x8f: {  	s22 =	sor.u32 s19, s21;
	[tilespmem:s20+$0x0] =	vst.add.f32.msk $0xffff, v4  }
0x90: {  	[tilespmem:s17+$0x0] =	vst.add.f32.msk $0xffff, v3  }
0x91: {  	[tilespmem:s23+$0x0] =	vst.add.f32.msk $0xffff, v3  }
0x92: {  	[tilespmem:s30+$0x0] =	vst.add.f32.msk $0xffff, v3  }
0x93: {  	[tilespmem:s14+$0x0] =	vst.add.f32.msk $0xffff, v3  }
0x94: {  	[tilespmem:s13+$0x0] =	vst.add.f32.msk $0xffff, v3  }
.Ltmp0:
0x95: {  	[tilespmem:s25+$0x0] =	vst.add.f32.msk $0xffff, v3;
	(pc) =	sbr.rel @p1 .LBB2_3-.Ltmp0, $4  }
0x96: {  	[tilespmem:s5+$0x11800] =	vst.add.f32.msk $0xffff, v3  }
0x97: {  	[tilespmem:s18+$0x11800] =	vst.add.f32.msk $0xffff, v3  }
0x98: {  	[tilespmem:s1+$0x0] =	vst.add.f32.msk $0xffff, v3  }
0x99: {  	s16 =	sadd.s32 $0x20, s16;
	s11 =	sadd.s32 $0x100, s11;
	[tilespmem:s15+$0x0] =	vst.add.f32.msk $0xffff, v3  }
0x9a: {  	s1 =	rddreg [dreg:$0x5]  }
0x9b: {  	s1 =	sor.u32 s1, s12  }
0x9c: {  	[tilespmem:s6+$0x0] =	vst.add.f32.msk $0xffff, v3;
	s10 =	smul.u32 $0x300000, s10;
	s1 =	sshrl.u32 s1, $0x3  }
0x9d: {  	[tilespmem:s26+$0x0] =	vst.add.f32.msk $0xffff, v3;
	s3 =	smul.u32 $0x1800, s1  }
0x9e: {  	[tilespmem:s4+$0x0] =	vst.add.f32.msk $0xffff, v3  }
0x9f: {  	[tilespmem:s28+$0x0] =	vst.add.f32.msk $0xffff, v3;
	s1 =	sadd.s32 s10, s3  }
0xa0: {  	s2 =	rddreg [dreg:$0x3];
	[tilespmem:s24+$0x0] =	vst.add.f32.msk $0xffff, v3;
	s1 =	sshrl.u32 s1, $0x3  }
0xa1: {  	s19 =	simm.s32 $0x0;
	s20 =	simm.s32 $0x11800;
	[tilespmem:s22+$0x0] =	vst.add.f32.msk $0xffff, v3;
	s1 =	sadd.s32 s2, s1  }
0xa2: {  	[hbm4b:s1+s19] =	stream.linear.scatter [tilespmem:s20], [sflag:$0x5], $0x3000, $0x38;
	[tilespmem:$0x1D800] =	vst v63  }
0xa3: {  	s1 =	simm.s32 @!p0 $0x8  }
0xa4: {  	_ =	swait.ge @!p0 [sflag:s1], $0x3000  }
0xa5: {  	s21 =	sor.u32 $0x30, s12;
	[sflag:s1] =	ssyncset.done @!p0 $0x0  }
0xa6: {  	s0 =	sadd.s32 s21, s0;
	[sflag:s1] =	ssyncadd.s32 @!p0 $0xFFFFD000  }
0xa7: {  	v3 =	vld [tilespmem:s0+$0x0];
	_ =	sdelay $0x4  }
0xa8: {  	v4 =	vshrl.u32 v3, $0x3  }
0xa9: {  	v4 =	vmul.u32 $0x30, v4  }
0xaa: {  	v3 =	vand.u32 $0x7, v3  }
0xab: {  	v3 =	vor.u32 v3, v4  }
0xac: {  	v4 =	vperm.xlane v3, v0;
	_ =	sdelay $0x1  }
0xad: {  	v4 =	vadd.s32 v1, v4;
	_ =	sdelay $0x3  }
0xae: {  	s22 =	simm.s32 $0x1A800;
	s0 =	simm.s32 $0x0;
	s1 =	rddreg [dreg:$0x0];
	v3 =	vperm.xlane v3, v2  }
0xaf: {  	[tilespmem:s22], [sflag:$0x4] =	stream.indirect_vreg.gather [hbm4b:s1+s0], $0x80, v4, vm0, $0xb8;
	[tilespmem:$0x1D800] =	vst v63  }
0xb0: {  	s23 =	simm.s32 $0x1B000;
	v3 =	vadd.s32 v1, v3  }
0xb1: {  	[tilespmem:s23], [sflag:$0x4] =	stream.indirect_vreg.gather [hbm4b:s8+s0], $0x80, v4, vm0, $0xb8;
	[tilespmem:$0x1D800] =	vst v63  }
0xb2: {  	s24 =	simm.s32 $0x1B800  }
0xb3: {  	[tilespmem:s24], [sflag:$0x4] =	stream.indirect_vreg.gather [hbm4b:s9+s0], $0x80, v4, vm0, $0xb8;
	[tilespmem:$0x1D800] =	vst v63  }
0xb4: {  	s25 =	simm.s32 $0x1C000  }
0xb5: {  	[tilespmem:s25], [sflag:$0x4] =	stream.indirect_vreg.gather [hbm4b:s1+s0], $0x80, v3, vm0, $0xb8;
	[tilespmem:$0x1D800] =	vst v63  }
0xb6: {  	s26 =	simm.s32 $0x1C800  }
0xb7: {  	[tilespmem:s26], [sflag:$0x4] =	stream.indirect_vreg.gather [hbm4b:s8+s0], $0x80, v3, vm0, $0xb8;
	[tilespmem:$0x1D800] =	vst v63  }
0xb8: {  	s30 =	simm.s32 $0x1D000;
	s5 =	simm.s32 $0x2;
	[dreg:$0xa] =	wrdreg s21  }
0xb9: {  	[tilespmem:s30], [sflag:$0x4] =	stream.indirect_vreg.gather [hbm4b:s9+s0], $0x80, v3, vm0, $0xb8;
	[tilespmem:$0x1D800] =	vst v63  }
0xba: {  	s11 =	sand.u32 $0x60, s0;
	s1 =	sand.u32 $0x1C00, s0;
	_ =	swait.ge [sflag:s5], $0x3000  }
0xbb: {  	s4 =	sor.u32 $0x10, s11;
	s31 =	sadd.s32 s1, s29;
	[sflag:s5] =	ssyncset.done $0x0  }
0xbc: {  	s6 =	sadd.s32 s4, s31;
	[sflag:s5] =	ssyncadd.s32 $0xFFFFD000  }
0xbd: {  	s2 =	sadd.s32 s11, s31;
	v4 =	vld [tilespmem:s6+$0x0]  }
0xbe: {  	v3 =	vld [tilespmem:s2+$0x0];
	_ =	sdelay $0x1  }
0xbf: {  	s12 =	sadd.s32 $0x14800, s1  }
0xc0: {  	s14 =	sor.u32 s4, s12  }
0xc1: {  	s5 =	sor.u32 s11, s12;
	[tilespmem:s14+$0x0] =	vst.add.f32.msk $0xffff, v4  }
0xc2: {  	s15 =	sor.u32 $0x80, s14;
	[tilespmem:s5+$0x0] =	vst.add.f32.msk $0xffff, v3  }
0xc3: {  	s12 =	sor.u32 $0x80, s5;
	[tilespmem:s15+$0x0] =	vst.add.f32.msk $0xffff, v4  }
0xc4: {  	s13 =	sand.u32 $0x3, s0;
	s16 =	sor.u32 $0x100, s14;
	[tilespmem:s12+$0x0] =	vst.add.f32.msk $0xffff, v3  }
0xc5: {  	s13 =	sshll.u32 s13, $0x5;
	s17 =	sor.u32 $0x180, s14;
	[tilespmem:s16+$0x0] =	vst.add.f32.msk $0xffff, v4  }
0xc6: {  	s13 =	sadd.s32 $0x0, s13;
	s18 =	sor.u32 $0x200, s14;
	[tilespmem:s17+$0x0] =	vst.add.f32.msk $0xffff, v4  }
0xc7: {  	s19 =	sadd.s32 $0x10, s13;
	s2 =	sor.u32 $0x280, s14;
	[tilespmem:s18+$0x0] =	vst.add.f32.msk $0xffff, v4  }
0xc8: {  	s20 =	sor.u32 $0x300, s19;
	[tilespmem:s2+$0x0] =	vst.add.f32.msk $0xffff, v4  }
0xc9: {  	s21 =	sor.u32 $0x380, s19;
	[tilespmem:s20+$0x14800] =	vst.add.f32.msk $0xffff, v4  }
0xca: {  	s14 =	sor.u32 $0x16000, s1;
	s20 =	sor.u32 $0x100, s5;
	[tilespmem:s21+$0x14800] =	vst.add.f32.msk $0xffff, v4  }
0xcb: {  	s22 =	sor.u32 s4, s14;
	[tilespmem:s20+$0x0] =	vst.add.f32.msk $0xffff, v3  }
0xcc: {  	s6 =	sor.u32 $0x16080, s1;
	s21 =	sor.u32 $0x180, s5;
	[tilespmem:s22+$0x0] =	vst.add.f32.msk $0xffff, v4  }
0xcd: {  	s23 =	sor.u32 s4, s6;
	[tilespmem:s21+$0x0] =	vst.add.f32.msk $0xffff, v3  }
0xce: {  	s15 =	sor.u32 $0x16100, s1;
	s22 =	sor.u32 $0x200, s5;
	[tilespmem:s23+$0x0] =	vst.add.f32.msk $0xffff, v4  }
0xcf: {  	s24 =	sor.u32 s4, s15;
	[tilespmem:s22+$0x0] =	vst.add.f32.msk $0xffff, v3  }
0xd0: {  	s16 =	sor.u32 $0x16180, s1;
	s23 =	sor.u32 $0x280, s5;
	[tilespmem:s24+$0x0] =	vst.add.f32.msk $0xffff, v4  }
0xd1: {  	s17 =	sor.u32 $0x16200, s1;
	s25 =	sor.u32 s4, s16;
	[tilespmem:s23+$0x0] =	vst.add.f32.msk $0xffff, v3  }
0xd2: {  	s26 =	sor.u32 s4, s17;
	[tilespmem:s25+$0x0] =	vst.add.f32.msk $0xffff, v4  }
0xd3: {  	s18 =	sor.u32 $0x16280, s1;
	s25 =	sor.u32 $0x300, s13;
	[tilespmem:s26+$0x0] =	vst.add.f32.msk $0xffff, v4  }
0xd4: {  	s30 =	sor.u32 s4, s18;
	s24 =	sor.u32 s0, s0;
	[tilespmem:s25+$0x14800] =	vst.add.f32.msk $0xffff, v3  }
0xd5: {  	s19 =	sor.u32 $0x16300, s1;
	s26 =	sor.u32 $0x380, s24;
	[tilespmem:s30+$0x0] =	vst.add.f32.msk $0xffff, v4  }
0xd6: {  	s31 =	sor.u32 s4, s19;
	s1 =	sor.u32 $0x16380, s1;
	[tilespmem:s26+$0x14800] =	vst.add.f32.msk $0xffff, v3  }
0xd7: {  	s28 =	sor.u32 s11, s17;
	s4 =	sor.u32 s4, s1;
	s30 =	sor.u32 s11, s14;
	[tilespmem:s31+$0x0] =	vst.add.f32.msk $0xffff, v4  }
0xd8: {  	s2 =	simm.s32 $0x0;
	s5 =	sor.u32 s11, s15;
	s25 =	sor.u32 s11, s19;
	[tilespmem:s30+$0x0] =	vst.add.f32.msk $0xffff, v3  }
0xd9: {  	s24 =	sor.u32 s11, s1;
	s26 =	sor.u32 s11, s18;
	s31 =	sor.u32 s11, s6;
	[tilespmem:s4+$0x0] =	vst.add.f32.msk $0xffff, v4  }
0xda: {  	s6 =	sor.u32 s11, s16;
	s11 =	simm.s32 $0x100;
	s16 =	simm.s32 $0x20;
	[tilespmem:s31+$0x0] =	vst.add.f32.msk $0xffff, v3  }
.LBB2_5:
0xdb: {  	s19 =	sand.u32 $0x60, s16;
	s21 =	sand.u32 $0x1C00, s11;
	s1 =	sor.u32 s11, s16;
	[tilespmem:s5+$0x0] =	vst.add.f32.msk $0xffff, v3  }
0xdc: {  	s4 =	sadd.s32 s21, s29;
	s18 =	sor.u32 $0x380, s1;
	s20 =	sor.u32 $0x10, s19;
	[tilespmem:s6+$0x0] =	vst.add.f32.msk $0xffff, v3  }
0xdd: {  	s1 =	sadd.s32 s19, s4;
	s4 =	sadd.s32 s20, s4;
	[tilespmem:s28+$0x0] =	vst.add.f32.msk $0xffff, v3  }
0xde: {  	v4 =	vld [tilespmem:s4+$0x0]  }
0xdf: {  	v5 =	vld [tilespmem:s1+$0x0]  }
0xe0: {  	[tilespmem:s26+$0x0] =	vst.add.f32.msk $0xffff, v3  }
0xe1: {  	s1 =	sadd.s32 $0x14800, s21;
	[tilespmem:s25+$0x0] =	vst.add.f32.msk $0xffff, v3  }
0xe2: {  	s17 =	sor.u32 s19, s1;
	s1 =	sor.u32 s20, s1;
	[tilespmem:s24+$0x0] =	vst.add.f32.msk $0xffff, v3  }
0xe3: {  	s0 =	sadd.s32 $0x1, s0;
	s23 =	sor.u32 $0x80, s17;
	s4 =	sor.u32 $0x80, s1;
	[tilespmem:s1+$0x0] =	vst.add.f32.msk $0xffff, v4  }
0xe4: {  	s5 =	sand.u32 $0x3, s0;
	s30 =	sor.u32 $0x100, s17;
	[tilespmem:s4+$0x0] =	vst.add.f32.msk $0xffff, v4;
	s4 =	sor.u32 $0x100, s1;
	v3 =	vmov v5  }
0xe5: {  	s5 =	sshll.u32 s5, $0x5;
	s14 =	sor.u32 $0x180, s17;
	[tilespmem:s4+$0x0] =	vst.add.f32.msk $0xffff, v4;
	s4 =	sor.u32 $0x180, s1  }
0xe6: {  	s5 =	sadd.s32 s5, s11;
	s13 =	sor.u32 $0x200, s17;
	[tilespmem:s4+$0x0] =	vst.add.f32.msk $0xffff, v4;
	s4 =	sor.u32 $0x200, s1  }
0xe7: {  	s6 =	sadd.s32 $0x10, s5;
	s22 =	sor.u32 $0x280, s17;
	s1 =	sor.u32 $0x280, s1;
	[tilespmem:s4+$0x0] =	vst.add.f32.msk $0xffff, v4  }
0xe8: {  	s4 =	sor.u32 $0x300, s5;
	[tilespmem:s1+$0x0] =	vst.add.f32.msk $0xffff, v4;
	s1 =	sor.u32 $0x300, s6  }
0xe9: {  	s5 =	sor.u32 $0x16000, s21;
	[tilespmem:s1+$0x14800] =	vst.add.f32.msk $0xffff, v4;
	s1 =	sor.u32 $0x380, s6  }
0xea: {  	s2 =	sadd.s32 $0x2, s2;
	s6 =	sor.u32 $0x16080, s21;
	[tilespmem:s1+$0x14800] =	vst.add.f32.msk $0xffff, v4;
	s1 =	sor.u32 s20, s5  }
0xeb: {  	s15 =	sor.u32 $0x16100, s21;
	p0 =	slt.u32 s2, $0x2E;
	[tilespmem:s1+$0x0] =	vst.add.f32.msk $0xffff, v4;
	s1 =	sor.u32 s20, s6  }
0xec: {  	s24 =	sor.u32 $0x16180, s21;
	s31 =	sor.u32 s19, s5;
	[tilespmem:s1+$0x0] =	vst.add.f32.msk $0xffff, v4;
	s1 =	sor.u32 s20, s15  }
0xed: {  	s25 =	sor.u32 $0x16200, s21;
	s12 =	sor.u32 s19, s6;
	[tilespmem:s1+$0x0] =	vst.add.f32.msk $0xffff, v4;
	s1 =	sor.u32 s20, s24  }
0xee: {  	s5 =	sor.u32 s19, s15;
	s15 =	sor.u32 $0x16280, s21;
	[tilespmem:s1+$0x0] =	vst.add.f32.msk $0xffff, v4;
	s1 =	sor.u32 s20, s25  }
0xef: {  	s6 =	sor.u32 s19, s24;
	s24 =	sor.u32 $0x16300, s21;
	[tilespmem:s1+$0x0] =	vst.add.f32.msk $0xffff, v4;
	s1 =	sor.u32 s20, s15  }
0xf0: {  	s28 =	sor.u32 s19, s25;
	s21 =	sor.u32 $0x16380, s21;
	[tilespmem:s1+$0x0] =	vst.add.f32.msk $0xffff, v4;
	s1 =	sor.u32 s20, s24  }
0xf1: {  	s26 =	sor.u32 s19, s15;
	s25 =	sor.u32 s19, s24;
	[tilespmem:s1+$0x0] =	vst.add.f32.msk $0xffff, v4;
	s1 =	sor.u32 s20, s21  }
0xf2: {  	s24 =	sor.u32 s19, s21;
	[tilespmem:s1+$0x0] =	vst.add.f32.msk $0xffff, v4  }
0xf3: {  	[tilespmem:s17+$0x0] =	vst.add.f32.msk $0xffff, v3  }
0xf4: {  	[tilespmem:s23+$0x0] =	vst.add.f32.msk $0xffff, v3  }
0xf5: {  	[tilespmem:s30+$0x0] =	vst.add.f32.msk $0xffff, v3  }
0xf6: {  	[tilespmem:s14+$0x0] =	vst.add.f32.msk $0xffff, v3  }
0xf7: {  	[tilespmem:s13+$0x0] =	vst.add.f32.msk $0xffff, v3  }
.Ltmp1:
0xf8: {  	[tilespmem:s22+$0x0] =	vst.add.f32.msk $0xffff, v3;
	(pc) =	sbr.rel @p0 .LBB2_5-.Ltmp1, $4  }
0xf9: {  	[tilespmem:s4+$0x14800] =	vst.add.f32.msk $0xffff, v3  }
0xfa: {  	[tilespmem:s18+$0x14800] =	vst.add.f32.msk $0xffff, v3  }
0xfb: {  	[tilespmem:s31+$0x0] =	vst.add.f32.msk $0xffff, v3  }
0xfc: {  	s16 =	sadd.s32 $0x20, s16;
	s11 =	sadd.s32 $0x100, s11;
	[tilespmem:s12+$0x0] =	vst.add.f32.msk $0xffff, v3  }
0xfd: {  	[tilespmem:s5+$0x0] =	vst.add.f32.msk $0xffff, v3  }
0xfe: {  	[tilespmem:s6+$0x0] =	vst.add.f32.msk $0xffff, v3  }
0xff: {  	s0 =	sadd.s32 s3, s10;
	[tilespmem:s28+$0x0] =	vst.add.f32.msk $0xffff, v3  }
0x100: {  	s0 =	sadd.s32 $0x3000, s0;
	[tilespmem:s26+$0x0] =	vst.add.f32.msk $0xffff, v3  }
0x101: {  	s1 =	rddreg [dreg:$0x3];
	s2 =	simm.s32 $0x14800;
	s0 =	sshrl.u32 s0, $0x3;
	[tilespmem:s25+$0x0] =	vst.add.f32.msk $0xffff, v3  }
0x102: {  	s0 =	sadd.s32 s1, s0;
	s25 =	simm.s32 $0x5;
	[tilespmem:s24+$0x0] =	vst.add.f32.msk $0xffff, v3;
	s24 =	simm.s32 $0x0  }
0x103: {  	[hbm4b:s0+s24] =	stream.linear.scatter [tilespmem:s2], [sflag:$0x6], $0x3000, $0x38;
	[tilespmem:$0x1D800] =	vst v63  }
0x104: {  	_ =	swait.ge [sflag:s25], $0x3000  }
0x105: {  	p0 =	seq.s32 s7, $0x99;
	s0 =	rddreg [dreg:$0xc]  }
0x106: {  	s31 =	sshll.u32 @!p0 s0, $0x4  }
0x107: {  	[sflag:s25] =	ssyncset.done $0x0;
	s0 =	sadd.s32 @!p0 $0x40, s31  }
0x108: {  	[sflag:s25] =	ssyncadd.s32 $0xFFFFD000;
	s0 =	sand.u32 @!p0 $0x7FC0, s0  }
0x109: {  	v3 =	vld @!p0 [tilespmem:s0+$0x0];
	_ =	sdelay $0x4  }
0x10a: {  	v4 =	vshrl.u32 @!p0 v3, $0x3  }
0x10b: {  	v4 =	vmul.u32 @!p0 $0x30, v4  }
0x10c: {  	v5 =	vlaneseq.u32 @!p0;
	v3 =	vand.u32 @!p0 $0x7, v3  }
0x10d: {  	v6 =	vshrl.u32 @!p0 v5, $0x3;
	v3 =	vor.u32 @!p0 v3, v4;
	v4 =	vand.u32 @!p0 $0x7, v5  }
0x10e: {  	v6 =	vmul.u32 @!p0 $0x8, v6;
	v4 =	vperm.xlane @!p0 v3, v4;
	_ =	sdelay $0x1  }
0x10f: {  	v4 =	vadd.s32 @!p0 v6, v4;
	_ =	sdelay $0x2  }
0x110: {  	v5 =	vor.u32 @!p0 $0x8, v5  }
0x111: {  	vm1 =	vmmov @!p0 $0xffff;
	s1 =	simm.s32 @!p0 $0x11800;
	s2 =	rddreg [dreg:$0x0];
	s0 =	simm.s32 @!p0 $0x0;
	v3 =	vperm.xlane @!p0 v3, v5  }
0x112: {  	[tilespmem:s1], [sflag:$0x1] =	stream.indirect_vreg.gather @!p0 [hbm4b:s2+s0], $0x80, v4, vm1, $0xb8;
	[tilespmem:$0x1D800] =	vst v63  }
0x113: {  	v3 =	vadd.s32 @!p0 v6, v3;
	s1 =	simm.s32 @!p0 $0x12000  }
0x114: {  	[tilespmem:s1], [sflag:$0x1] =	stream.indirect_vreg.gather @!p0 [hbm4b:s8+s0], $0x80, v4, vm1, $0xb8;
	[tilespmem:$0x1D800] =	vst v63  }
0x115: {  	s1 =	simm.s32 @!p0 $0x12800  }
0x116: {  	[tilespmem:s1], [sflag:$0x1] =	stream.indirect_vreg.gather @!p0 [hbm4b:s9+s0], $0x80, v4, vm1, $0xb8;
	[tilespmem:$0x1D800] =	vst v63  }
0x117: {  	s1 =	simm.s32 @!p0 $0x13000  }
0x118: {  	[tilespmem:s1], [sflag:$0x1] =	stream.indirect_vreg.gather @!p0 [hbm4b:s2+s0], $0x80, v3, vm1, $0xb8;
	[tilespmem:$0x1D800] =	vst v63  }
0x119: {  	s1 =	simm.s32 @!p0 $0x13800  }
0x11a: {  	[tilespmem:s1], [sflag:$0x1] =	stream.indirect_vreg.gather @!p0 [hbm4b:s8+s0], $0x80, v3, vm1, $0xb8;
	[tilespmem:$0x1D800] =	vst v63  }
0x11b: {  	s1 =	simm.s32 @!p0 $0x14000  }
0x11c: {  	[tilespmem:s1], [sflag:$0x1] =	stream.indirect_vreg.gather @!p0 [hbm4b:s9+s0], $0x80, v3, vm1, $0xb8;
	[tilespmem:$0x1D800] =	vst v63  }
0x11d: {  	s26 =	simm.s32 $0x3;
	s0 =	simm.s32 $0x0  }
0x11e: {  	_ =	swait.ge [sflag:s26], $0x3000;
	s3 =	sand.u32 $0x60, s0;
	s30 =	sand.u32 $0x1C00, s0  }
0x11f: {  	[sflag:s26] =	ssyncset.done $0x0;
	s11 =	sadd.s32 s30, s29;
	s4 =	sor.u32 $0x10, s3  }
0x120: {  	[sflag:s26] =	ssyncadd.s32 $0xFFFFD000;
	s12 =	sadd.s32 s4, s11  }
0x121: {  	s2 =	sadd.s32 s3, s11;
	v4 =	vld [tilespmem:s12+$0x0]  }
0x122: {  	v3 =	vld [tilespmem:s2+$0x0];
	_ =	sdelay $0x1  }
0x123: {  	s5 =	sadd.s32 $0x17800, s30;
	s11 =	sand.u32 $0x3, s0  }
0x124: {  	s13 =	sor.u32 s4, s5;
	s11 =	sshll.u32 s11, $0x5  }
0x125: {  	s5 =	sor.u32 s3, s5;
	s11 =	sadd.s32 $0x0, s11;
	[tilespmem:s13+$0x0] =	vst.add.f32.msk $0xffff, v4  }
0x126: {  	s14 =	sor.u32 $0x80, s13;
	s18 =	sadd.s32 $0x10, s11;
	[tilespmem:s5+$0x0] =	vst.add.f32.msk $0xffff, v3  }
0x127: {  	s19 =	sor.u32 $0x300, s18;
	s20 =	sor.u32 $0x380, s18;
	s18 =	sor.u32 $0x80, s5;
	[tilespmem:s14+$0x0] =	vst.add.f32.msk $0xffff, v4  }
0x128: {  	s15 =	sor.u32 $0x100, s13;
	[tilespmem:s18+$0x0] =	vst.add.f32.msk $0xffff, v3  }
0x129: {  	s16 =	sor.u32 $0x180, s13;
	[tilespmem:s15+$0x0] =	vst.add.f32.msk $0xffff, v4  }
0x12a: {  	s17 =	sor.u32 $0x200, s13;
	[tilespmem:s16+$0x0] =	vst.add.f32.msk $0xffff, v4  }
0x12b: {  	s2 =	sor.u32 $0x280, s13;
	[tilespmem:s17+$0x0] =	vst.add.f32.msk $0xffff, v4  }
0x12c: {  	[tilespmem:s2+$0x0] =	vst.add.f32.msk $0xffff, v4  }
0x12d: {  	[tilespmem:s19+$0x17800] =	vst.add.f32.msk $0xffff, v4  }
0x12e: {  	s12 =	sadd.s32 $0x19000, s30;
	s19 =	sor.u32 $0x100, s5;
	[tilespmem:s20+$0x17800] =	vst.add.f32.msk $0xffff, v4  }
0x12f: {  	s21 =	sor.u32 s4, s12;
	[tilespmem:s19+$0x0] =	vst.add.f32.msk $0xffff, v3  }
0x130: {  	s6 =	sadd.s32 $0x19080, s30;
	s20 =	sor.u32 $0x180, s5;
	[tilespmem:s21+$0x0] =	vst.add.f32.msk $0xffff, v4  }
0x131: {  	s22 =	sor.u32 s4, s6;
	[tilespmem:s20+$0x0] =	vst.add.f32.msk $0xffff, v3  }
0x132: {  	s13 =	sadd.s32 $0x19100, s30;
	s21 =	sor.u32 $0x200, s5;
	[tilespmem:s22+$0x0] =	vst.add.f32.msk $0xffff, v4  }
0x133: {  	s23 =	sor.u32 s4, s13;
	[tilespmem:s21+$0x0] =	vst.add.f32.msk $0xffff, v3  }
0x134: {  	s14 =	sadd.s32 $0x19180, s30;
	s22 =	sor.u32 $0x280, s5;
	[tilespmem:s23+$0x0] =	vst.add.f32.msk $0xffff, v4  }
0x135: {  	s15 =	sadd.s32 $0x19200, s30;
	s24 =	sor.u32 s4, s14;
	[tilespmem:s22+$0x0] =	vst.add.f32.msk $0xffff, v3  }
0x136: {  	s25 =	sor.u32 s4, s15;
	[tilespmem:s24+$0x0] =	vst.add.f32.msk $0xffff, v4  }
0x137: {  	s16 =	sadd.s32 $0x19280, s30;
	s24 =	sor.u32 $0x300, s11;
	[tilespmem:s25+$0x0] =	vst.add.f32.msk $0xffff, v4  }
0x138: {  	s26 =	sor.u32 s4, s16;
	s23 =	sor.u32 s0, s0;
	[tilespmem:s24+$0x17800] =	vst.add.f32.msk $0xffff, v3  }
0x139: {  	s17 =	sadd.s32 $0x19300, s30;
	s25 =	sor.u32 $0x380, s23;
	[tilespmem:s26+$0x0] =	vst.add.f32.msk $0xffff, v4  }
0x13a: {  	s1 =	sadd.s32 $0x19380, s30;
	s30 =	sor.u32 s4, s17;
	[tilespmem:s25+$0x17800] =	vst.add.f32.msk $0xffff, v3  }
0x13b: {  	s28 =	sor.u32 s3, s15;
	s4 =	sor.u32 s4, s1;
	s26 =	sor.u32 s3, s12;
	[tilespmem:s30+$0x0] =	vst.add.f32.msk $0xffff, v4  }
0x13c: {  	s2 =	simm.s32 $0x0;
	s22 =	sor.u32 s3, s1;
	s11 =	simm.s32 $0x20;
	[tilespmem:s26+$0x0] =	vst.add.f32.msk $0xffff, v3  }
0x13d: {  	s24 =	sor.u32 s3, s17;
	s30 =	sor.u32 s3, s6;
	s6 =	sor.u32 s3, s13;
	[tilespmem:s4+$0x0] =	vst.add.f32.msk $0xffff, v4  }
0x13e: {  	s26 =	sor.u32 s3, s16;
	s4 =	sor.u32 s3, s14;
	[tilespmem:s30+$0x0] =	vst.add.f32.msk $0xffff, v3;
	s3 =	simm.s32 $0x100  }
.LBB2_7:
0x13f: {  	s18 =	sand.u32 $0x60, s11;
	s20 =	sand.u32 $0x1C00, s3;
	s1 =	sor.u32 s3, s11;
	[tilespmem:s6+$0x0] =	vst.add.f32.msk $0xffff, v3  }
0x140: {  	s5 =	sadd.s32 s20, s29;
	s16 =	sor.u32 $0x380, s1;
	s19 =	sor.u32 $0x10, s18;
	[tilespmem:s4+$0x0] =	vst.add.f32.msk $0xffff, v3  }
0x141: {  	s1 =	sadd.s32 s18, s5;
	s4 =	sadd.s32 s19, s5;
	[tilespmem:s28+$0x0] =	vst.add.f32.msk $0xffff, v3  }
0x142: {  	v4 =	vld [tilespmem:s4+$0x0]  }
0x143: {  	v5 =	vld [tilespmem:s1+$0x0]  }
0x144: {  	[tilespmem:s26+$0x0] =	vst.add.f32.msk $0xffff, v3  }
0x145: {  	s1 =	sadd.s32 $0x17800, s20;
	[tilespmem:s24+$0x0] =	vst.add.f32.msk $0xffff, v3  }
0x146: {  	s17 =	sor.u32 s18, s1;
	s1 =	sor.u32 s19, s1;
	[tilespmem:s22+$0x0] =	vst.add.f32.msk $0xffff, v3  }
0x147: {  	s0 =	sadd.s32 $0x1, s0;
	s21 =	sor.u32 $0x80, s17;
	s4 =	sor.u32 $0x80, s1;
	[tilespmem:s1+$0x0] =	vst.add.f32.msk $0xffff, v4  }
0x148: {  	s5 =	sand.u32 $0x3, s0;
	s23 =	sor.u32 $0x100, s17;
	[tilespmem:s4+$0x0] =	vst.add.f32.msk $0xffff, v4;
	s4 =	sor.u32 $0x100, s1;
	v3 =	vmov v5  }
0x149: {  	s5 =	sshll.u32 s5, $0x5;
	s14 =	sor.u32 $0x180, s17;
	[tilespmem:s4+$0x0] =	vst.add.f32.msk $0xffff, v4;
	s4 =	sor.u32 $0x180, s1  }
0x14a: {  	s5 =	sadd.s32 s5, s3;
	s13 =	sor.u32 $0x200, s17;
	[tilespmem:s4+$0x0] =	vst.add.f32.msk $0xffff, v4;
	s4 =	sor.u32 $0x200, s1  }
0x14b: {  	s25 =	sor.u32 $0x280, s17;
	s1 =	sor.u32 $0x280, s1;
	[tilespmem:s4+$0x0] =	vst.add.f32.msk $0xffff, v4;
	s4 =	sadd.s32 $0x10, s5  }
0x14c: {  	s5 =	sor.u32 $0x300, s5;
	[tilespmem:s1+$0x0] =	vst.add.f32.msk $0xffff, v4;
	s1 =	sor.u32 $0x300, s4  }
0x14d: {  	s6 =	sadd.s32 $0x19000, s20;
	[tilespmem:s1+$0x17800] =	vst.add.f32.msk $0xffff, v4;
	s1 =	sor.u32 $0x380, s4  }
0x14e: {  	s2 =	sadd.s32 $0x2, s2;
	s4 =	sadd.s32 $0x19080, s20;
	[tilespmem:s1+$0x17800] =	vst.add.f32.msk $0xffff, v4;
	s1 =	sor.u32 s19, s6  }
0x14f: {  	s12 =	sadd.s32 $0x19100, s20;
	p1 =	slt.u32 s2, $0x2E;
	[tilespmem:s1+$0x0] =	vst.add.f32.msk $0xffff, v4;
	s1 =	sor.u32 s19, s4  }
0x150: {  	s15 =	sor.u32 s18, s6;
	s22 =	sadd.s32 $0x19180, s20;
	[tilespmem:s1+$0x0] =	vst.add.f32.msk $0xffff, v4;
	s1 =	sor.u32 s19, s12  }
0x151: {  	s24 =	sadd.s32 $0x19200, s20;
	s30 =	sor.u32 s18, s4;
	[tilespmem:s1+$0x0] =	vst.add.f32.msk $0xffff, v4;
	s1 =	sor.u32 s19, s22  }
0x152: {  	s6 =	sor.u32 s18, s12;
	s12 =	sadd.s32 $0x19280, s20;
	[tilespmem:s1+$0x0] =	vst.add.f32.msk $0xffff, v4;
	s1 =	sor.u32 s19, s24  }
0x153: {  	s4 =	sor.u32 s18, s22;
	s22 =	sadd.s32 $0x19300, s20;
	[tilespmem:s1+$0x0] =	vst.add.f32.msk $0xffff, v4;
	s1 =	sor.u32 s19, s12  }
0x154: {  	s28 =	sor.u32 s18, s24;
	s20 =	sadd.s32 $0x19380, s20;
	[tilespmem:s1+$0x0] =	vst.add.f32.msk $0xffff, v4;
	s1 =	sor.u32 s19, s22  }
0x155: {  	s26 =	sor.u32 s18, s12;
	s24 =	sor.u32 s18, s22;
	[tilespmem:s1+$0x0] =	vst.add.f32.msk $0xffff, v4;
	s1 =	sor.u32 s19, s20  }
0x156: {  	s22 =	sor.u32 s18, s20;
	[tilespmem:s1+$0x0] =	vst.add.f32.msk $0xffff, v4  }
0x157: {  	[tilespmem:s17+$0x0] =	vst.add.f32.msk $0xffff, v3  }
0x158: {  	[tilespmem:s21+$0x0] =	vst.add.f32.msk $0xffff, v3  }
0x159: {  	[tilespmem:s23+$0x0] =	vst.add.f32.msk $0xffff, v3  }
0x15a: {  	[tilespmem:s14+$0x0] =	vst.add.f32.msk $0xffff, v3  }
0x15b: {  	[tilespmem:s13+$0x0] =	vst.add.f32.msk $0xffff, v3  }
.Ltmp2:
0x15c: {  	[tilespmem:s25+$0x0] =	vst.add.f32.msk $0xffff, v3;
	(pc) =	sbr.rel @p1 .LBB2_7-.Ltmp2, $4  }
0x15d: {  	[tilespmem:s5+$0x17800] =	vst.add.f32.msk $0xffff, v3  }
0x15e: {  	[tilespmem:s16+$0x17800] =	vst.add.f32.msk $0xffff, v3  }
0x15f: {  	[tilespmem:s15+$0x0] =	vst.add.f32.msk $0xffff, v3  }
0x160: {  	s11 =	sadd.s32 $0x20, s11;
	s3 =	sadd.s32 $0x100, s3;
	[tilespmem:s30+$0x0] =	vst.add.f32.msk $0xffff, v3  }
0x161: {  	s0 =	rddreg [dreg:$0x5]  }
0x162: {  	s1 =	rddreg [dreg:$0xb]  }
0x163: {  	s0 =	sor.u32 s0, s1  }
0x164: {  	[tilespmem:s6+$0x0] =	vst.add.f32.msk $0xffff, v3;
	s0 =	sshrl.u32 s0, $0x3  }
0x165: {  	[tilespmem:s4+$0x0] =	vst.add.f32.msk $0xffff, v3;
	s0 =	smul.u32 $0x1800, s0  }
0x166: {  	[tilespmem:s28+$0x0] =	vst.add.f32.msk $0xffff, v3  }
0x167: {  	[tilespmem:s26+$0x0] =	vst.add.f32.msk $0xffff, v3;
	s0 =	sadd.s32 s10, s0  }
0x168: {  	s2 =	simm.s32 $0x17800;
	s26 =	rddreg [dreg:$0x3];
	[tilespmem:s24+$0x0] =	vst.add.f32.msk $0xffff, v3;
	s0 =	sshrl.u32 s0, $0x3  }
0x169: {  	s30 =	simm.s32 $0x6;
	s28 =	simm.s32 $0x0;
	[tilespmem:s22+$0x0] =	vst.add.f32.msk $0xffff, v3;
	s0 =	sadd.s32 s26, s0  }
0x16a: {  	[hbm4b:s0+s28] =	stream.linear.scatter [tilespmem:s2], [sflag:$0x7], $0x3000, $0x38;
	[tilespmem:$0x1D800] =	vst v63  }
0x16b: {  	_ =	swait.ge [sflag:s30], $0x3000  }
0x16c: {  	s0 =	sadd.s32 @!p0 $0x50, s31;
	[sflag:s30] =	ssyncset.done $0x0  }
0x16d: {  	s0 =	sand.u32 @!p0 $0x7FD0, s0;
	[sflag:s30] =	ssyncadd.s32 $0xFFFFD000  }
0x16e: {  	v3 =	vld @!p0 [tilespmem:s0+$0x0];
	_ =	sdelay $0x4  }
0x16f: {  	v4 =	vshrl.u32 @!p0 v3, $0x3  }
0x170: {  	v4 =	vmul.u32 @!p0 $0x30, v4  }
0x171: {  	v5 =	vlaneseq.u32 @!p0;
	v3 =	vand.u32 @!p0 $0x7, v3  }
0x172: {  	v6 =	vshrl.u32 @!p0 v5, $0x3;
	v3 =	vor.u32 @!p0 v3, v4;
	v4 =	vand.u32 @!p0 $0x7, v5  }
0x173: {  	v6 =	vmul.u32 @!p0 $0x8, v6;
	v4 =	vperm.xlane @!p0 v3, v4;
	_ =	sdelay $0x1  }
0x174: {  	v4 =	vadd.s32 @!p0 v6, v4;
	_ =	sdelay $0x2  }
0x175: {  	v5 =	vor.u32 @!p0 $0x8, v5  }
0x176: {  	s1 =	simm.s32 @!p0 $0x14800;
	s0 =	simm.s32 @!p0 $0x0;
	s2 =	rddreg [dreg:$0x0];
	v3 =	vperm.xlane @!p0 v3, v5  }
0x177: {  	[tilespmem:s1], [sflag:$0x2] =	stream.indirect_vreg.gather @!p0 [hbm4b:s2+s0], $0x80, v4, vm1, $0xb8;
	[tilespmem:$0x1D800] =	vst v63  }
0x178: {  	v3 =	vadd.s32 @!p0 v6, v3;
	s1 =	simm.s32 @!p0 $0x15000  }
0x179: {  	[tilespmem:s1], [sflag:$0x2] =	stream.indirect_vreg.gather @!p0 [hbm4b:s8+s0], $0x80, v4, vm1, $0xb8;
	[tilespmem:$0x1D800] =	vst v63  }
0x17a: {  	s1 =	simm.s32 @!p0 $0x15800  }
0x17b: {  	[tilespmem:s1], [sflag:$0x2] =	stream.indirect_vreg.gather @!p0 [hbm4b:s9+s0], $0x80, v4, vm1, $0xb8;
	[tilespmem:$0x1D800] =	vst v63  }
0x17c: {  	s1 =	simm.s32 @!p0 $0x16000  }
0x17d: {  	[tilespmem:s1], [sflag:$0x2] =	stream.indirect_vreg.gather @!p0 [hbm4b:s2+s0], $0x80, v3, vm1, $0xb8;
	[tilespmem:$0x1D800] =	vst v63  }
0x17e: {  	s1 =	simm.s32 @!p0 $0x16800  }
0x17f: {  	[tilespmem:s1], [sflag:$0x2] =	stream.indirect_vreg.gather @!p0 [hbm4b:s8+s0], $0x80, v3, vm1, $0xb8;
	[tilespmem:$0x1D800] =	vst v63  }
0x180: {  	s1 =	simm.s32 @!p0 $0x17000  }
0x181: {  	[tilespmem:s1], [sflag:$0x2] =	stream.indirect_vreg.gather @!p0 [hbm4b:s9+s0], $0x80, v3, vm1, $0xb8;
	[tilespmem:$0x1D800] =	vst v63  }
0x182: {  	s5 =	simm.s32 $0x4;
	s0 =	simm.s32 $0x0  }
0x183: {  	_ =	swait.ge [sflag:s5], $0x3000;
	s3 =	sand.u32 $0x60, s0;
	s31 =	sand.u32 $0x1C00, s0  }
0x184: {  	[sflag:s5] =	ssyncset.done $0x0;
	s13 =	sadd.s32 s31, s29;
	s4 =	sor.u32 $0x10, s3  }
0x185: {  	[sflag:s5] =	ssyncadd.s32 $0xFFFFD000;
	s14 =	sadd.s32 s4, s13  }
0x186: {  	v4 =	vld [tilespmem:s14+$0x0];
	_ =	sdelay $0x2  }
0x187: {  	s2 =	sadd.s32 s3, s13;
	s5 =	sadd.s32 $0x1A800, s31  }
0x188: {  	v3 =	vld [tilespmem:s2+$0x0];
	s15 =	sor.u32 s4, s5  }
0x189: {  	s16 =	sor.u32 $0x80, s15;
	[tilespmem:s15+$0x0] =	vst.add.f32.msk $0xffff, v4  }
0x18a: {  	s17 =	sor.u32 $0x100, s15;
	[tilespmem:s16+$0x0] =	vst.add.f32.msk $0xffff, v4  }
0x18b: {  	s11 =	sand.u32 $0x3, s0;
	s18 =	sor.u32 $0x180, s15;
	[tilespmem:s17+$0x0] =	vst.add.f32.msk $0xffff, v4  }
0x18c: {  	s11 =	sshll.u32 s11, $0x5;
	s19 =	sor.u32 $0x200, s15;
	[tilespmem:s18+$0x0] =	vst.add.f32.msk $0xffff, v4  }
0x18d: {  	s11 =	sadd.s32 $0x0, s11;
	s2 =	sor.u32 $0x280, s15;
	[tilespmem:s19+$0x0] =	vst.add.f32.msk $0xffff, v4  }
0x18e: {  	s20 =	sadd.s32 $0x10, s11;
	s19 =	sor.u32 s3, s5;
	[tilespmem:s2+$0x0] =	vst.add.f32.msk $0xffff, v4  }
0x18f: {  	s21 =	sor.u32 $0x300, s20;
	[tilespmem:s19+$0x0] =	vst.add.f32.msk $0xffff, v3  }
0x190: {  	s22 =	sor.u32 $0x380, s20;
	s20 =	sor.u32 $0x80, s19;
	[tilespmem:s21+$0x1A800] =	vst.add.f32.msk $0xffff, v4  }
0x191: {  	[tilespmem:s20+$0x0] =	vst.add.f32.msk $0xffff, v3  }
0x192: {  	s12 =	sor.u32 $0x1C000, s31;
	s21 =	sor.u32 $0x100, s19;
	[tilespmem:s22+$0x1A800] =	vst.add.f32.msk $0xffff, v4  }
0x193: {  	s23 =	sor.u32 s4, s12;
	[tilespmem:s21+$0x0] =	vst.add.f32.msk $0xffff, v3  }
0x194: {  	s6 =	sor.u32 $0x1C080, s31;
	s22 =	sor.u32 $0x180, s19;
	[tilespmem:s23+$0x0] =	vst.add.f32.msk $0xffff, v4  }
0x195: {  	s24 =	sor.u32 s4, s6;
	[tilespmem:s22+$0x0] =	vst.add.f32.msk $0xffff, v3  }
0x196: {  	s13 =	sor.u32 $0x1C100, s31;
	s23 =	sor.u32 $0x200, s19;
	[tilespmem:s24+$0x0] =	vst.add.f32.msk $0xffff, v4  }
0x197: {  	s25 =	sor.u32 s4, s13;
	[tilespmem:s23+$0x0] =	vst.add.f32.msk $0xffff, v3  }
0x198: {  	s14 =	sor.u32 $0x1C180, s31;
	s24 =	sor.u32 $0x280, s19;
	[tilespmem:s25+$0x0] =	vst.add.f32.msk $0xffff, v4  }
0x199: {  	s26 =	sor.u32 s4, s14;
	s15 =	sor.u32 $0x1C200, s31;
	[tilespmem:s24+$0x0] =	vst.add.f32.msk $0xffff, v3  }
0x19a: {  	s28 =	sor.u32 s4, s15;
	[tilespmem:s26+$0x0] =	vst.add.f32.msk $0xffff, v4  }
0x19b: {  	s16 =	sor.u32 $0x1C280, s31;
	s26 =	sor.u32 $0x300, s11;
	[tilespmem:s28+$0x0] =	vst.add.f32.msk $0xffff, v4  }
0x19c: {  	s30 =	sor.u32 s4, s16;
	s25 =	sor.u32 s0, s0;
	[tilespmem:s26+$0x1A800] =	vst.add.f32.msk $0xffff, v3  }
0x19d: {  	s17 =	sor.u32 $0x1C300, s31;
	s28 =	sor.u32 $0x380, s25;
	[tilespmem:s30+$0x0] =	vst.add.f32.msk $0xffff, v4  }
0x19e: {  	s1 =	sor.u32 $0x1C380, s31;
	s31 =	sor.u32 s4, s17;
	[tilespmem:s28+$0x1A800] =	vst.add.f32.msk $0xffff, v3  }
0x19f: {  	s18 =	sor.u32 s4, s1;
	s4 =	sor.u32 s3, s14;
	s30 =	sor.u32 s3, s12;
	[tilespmem:s31+$0x0] =	vst.add.f32.msk $0xffff, v4  }
0x1a0: {  	s2 =	simm.s32 $0x0;
	s22 =	sor.u32 s3, s1;
	s23 =	sor.u32 s3, s17;
	[tilespmem:s30+$0x0] =	vst.add.f32.msk $0xffff, v3  }
0x1a1: {  	s11 =	simm.s32 $0x20;
	s26 =	sor.u32 s3, s15;
	s31 =	sor.u32 s3, s6;
	[tilespmem:s18+$0x0] =	vst.add.f32.msk $0xffff, v4  }
0x1a2: {  	s25 =	sor.u32 s3, s16;
	s6 =	sor.u32 s3, s13;
	s3 =	simm.s32 $0x100;
	[tilespmem:s31+$0x0] =	vst.add.f32.msk $0xffff, v3  }
.LBB2_9:
0x1a3: {  	s16 =	sand.u32 $0x60, s11;
	s19 =	sand.u32 $0x1C00, s3;
	s1 =	sor.u32 s3, s11;
	[tilespmem:s6+$0x0] =	vst.add.f32.msk $0xffff, v3  }
0x1a4: {  	s5 =	sadd.s32 s19, s29;
	s15 =	sor.u32 $0x380, s1;
	s18 =	sor.u32 $0x10, s16;
	[tilespmem:s4+$0x0] =	vst.add.f32.msk $0xffff, v3  }
0x1a5: {  	s1 =	sadd.s32 s16, s5;
	s4 =	sadd.s32 s18, s5;
	[tilespmem:s26+$0x0] =	vst.add.f32.msk $0xffff, v3  }
0x1a6: {  	v4 =	vld [tilespmem:s4+$0x0]  }
0x1a7: {  	v5 =	vld [tilespmem:s1+$0x0]  }
0x1a8: {  	[tilespmem:s25+$0x0] =	vst.add.f32.msk $0xffff, v3  }
0x1a9: {  	s1 =	sadd.s32 $0x1A800, s19;
	[tilespmem:s23+$0x0] =	vst.add.f32.msk $0xffff, v3  }
0x1aa: {  	s17 =	sor.u32 s16, s1;
	s1 =	sor.u32 s18, s1;
	[tilespmem:s22+$0x0] =	vst.add.f32.msk $0xffff, v3  }
0x1ab: {  	s0 =	sadd.s32 $0x1, s0;
	s20 =	sor.u32 $0x80, s17;
	s4 =	sor.u32 $0x80, s1;
	[tilespmem:s1+$0x0] =	vst.add.f32.msk $0xffff, v4  }
0x1ac: {  	s5 =	sand.u32 $0x3, s0;
	s21 =	sor.u32 $0x100, s17;
	[tilespmem:s4+$0x0] =	vst.add.f32.msk $0xffff, v4;
	s4 =	sor.u32 $0x100, s1;
	v3 =	vmov v5  }
0x1ad: {  	s5 =	sshll.u32 s5, $0x5;
	s14 =	sor.u32 $0x180, s17;
	[tilespmem:s4+$0x0] =	vst.add.f32.msk $0xffff, v4;
	s4 =	sor.u32 $0x180, s1  }
0x1ae: {  	s5 =	sadd.s32 s5, s3;
	s13 =	sor.u32 $0x200, s17;
	[tilespmem:s4+$0x0] =	vst.add.f32.msk $0xffff, v4;
	s4 =	sor.u32 $0x200, s1  }
0x1af: {  	s24 =	sor.u32 $0x280, s17;
	s1 =	sor.u32 $0x280, s1;
	[tilespmem:s4+$0x0] =	vst.add.f32.msk $0xffff, v4;
	s4 =	sadd.s32 $0x10, s5  }
0x1b0: {  	s5 =	sor.u32 $0x300, s5;
	[tilespmem:s1+$0x0] =	vst.add.f32.msk $0xffff, v4;
	s1 =	sor.u32 $0x300, s4  }
0x1b1: {  	s6 =	sor.u32 $0x1C000, s19;
	[tilespmem:s1+$0x1A800] =	vst.add.f32.msk $0xffff, v4;
	s1 =	sor.u32 $0x380, s4  }
0x1b2: {  	s2 =	sadd.s32 $0x2, s2;
	s4 =	sor.u32 $0x1C080, s19;
	[tilespmem:s1+$0x1A800] =	vst.add.f32.msk $0xffff, v4;
	s1 =	sor.u32 s18, s6  }
0x1b3: {  	s12 =	sor.u32 $0x1C100, s19;
	p0 =	slt.u32 s2, $0x2E;
	[tilespmem:s1+$0x0] =	vst.add.f32.msk $0xffff, v4;
	s1 =	sor.u32 s18, s4  }
0x1b4: {  	s28 =	sor.u32 s16, s6;
	s22 =	sor.u32 $0x1C180, s19;
	[tilespmem:s1+$0x0] =	vst.add.f32.msk $0xffff, v4;
	s1 =	sor.u32 s18, s12  }
0x1b5: {  	s23 =	sor.u32 $0x1C200, s19;
	s30 =	sor.u32 s16, s4;
	[tilespmem:s1+$0x0] =	vst.add.f32.msk $0xffff, v4;
	s1 =	sor.u32 s18, s22  }
0x1b6: {  	s6 =	sor.u32 s16, s12;
	s12 =	sor.u32 $0x1C280, s19;
	[tilespmem:s1+$0x0] =	vst.add.f32.msk $0xffff, v4;
	s1 =	sor.u32 s18, s23  }
0x1b7: {  	s4 =	sor.u32 s16, s22;
	s22 =	sor.u32 $0x1C300, s19;
	[tilespmem:s1+$0x0] =	vst.add.f32.msk $0xffff, v4;
	s1 =	sor.u32 s18, s12  }
0x1b8: {  	s26 =	sor.u32 s16, s23;
	s19 =	sor.u32 $0x1C380, s19;
	[tilespmem:s1+$0x0] =	vst.add.f32.msk $0xffff, v4;
	s1 =	sor.u32 s18, s22  }
0x1b9: {  	s25 =	sor.u32 s16, s12;
	s23 =	sor.u32 s16, s22;
	[tilespmem:s1+$0x0] =	vst.add.f32.msk $0xffff, v4;
	s1 =	sor.u32 s18, s19  }
0x1ba: {  	s22 =	sor.u32 s16, s19;
	[tilespmem:s1+$0x0] =	vst.add.f32.msk $0xffff, v4  }
0x1bb: {  	[tilespmem:s17+$0x0] =	vst.add.f32.msk $0xffff, v3  }
0x1bc: {  	[tilespmem:s20+$0x0] =	vst.add.f32.msk $0xffff, v3  }
0x1bd: {  	[tilespmem:s21+$0x0] =	vst.add.f32.msk $0xffff, v3  }
0x1be: {  	[tilespmem:s14+$0x0] =	vst.add.f32.msk $0xffff, v3  }
0x1bf: {  	[tilespmem:s13+$0x0] =	vst.add.f32.msk $0xffff, v3  }
.Ltmp3:
0x1c0: {  	[tilespmem:s24+$0x0] =	vst.add.f32.msk $0xffff, v3;
	(pc) =	sbr.rel @p0 .LBB2_9-.Ltmp3, $4  }
0x1c1: {  	[tilespmem:s5+$0x1A800] =	vst.add.f32.msk $0xffff, v3  }
0x1c2: {  	[tilespmem:s15+$0x1A800] =	vst.add.f32.msk $0xffff, v3  }
0x1c3: {  	[tilespmem:s28+$0x0] =	vst.add.f32.msk $0xffff, v3  }
0x1c4: {  	s11 =	sadd.s32 $0x20, s11;
	s3 =	sadd.s32 $0x100, s3;
	[tilespmem:s30+$0x0] =	vst.add.f32.msk $0xffff, v3  }
0x1c5: {  	s0 =	rddreg [dreg:$0x5]  }
0x1c6: {  	s1 =	rddreg [dreg:$0xa]  }
0x1c7: {  	s0 =	sor.u32 s0, s1  }
0x1c8: {  	[tilespmem:s6+$0x0] =	vst.add.f32.msk $0xffff, v3;
	s7 =	sadd.s32 $0x1, s7;
	s0 =	sshrl.u32 s0, $0x3  }
0x1c9: {  	[tilespmem:s4+$0x0] =	vst.add.f32.msk $0xffff, v3;
	p0 =	sne.s32 s7, $0x9A;
	s0 =	smul.u32 $0x1800, s0  }
.Ltmp4:
0x1ca: {  	[tilespmem:s26+$0x0] =	vst.add.f32.msk $0xffff, v3;
	(pc) =	sbr.rel @p0 .LBB2_2-.Ltmp4, $4  }
0x1cb: {  	[tilespmem:s25+$0x0] =	vst.add.f32.msk $0xffff, v3;
	s0 =	sadd.s32 s10, s0  }
0x1cc: {  	s30 =	rddreg [dreg:$0x3];
	[tilespmem:s23+$0x0] =	vst.add.f32.msk $0xffff, v3;
	s0 =	sshrl.u32 s0, $0x3  }
0x1cd: {  	s31 =	simm.s32 $0x0;
	s2 =	simm.s32 $0x1A800;
	[tilespmem:s22+$0x0] =	vst.add.f32.msk $0xffff, v3;
	s0 =	sadd.s32 s30, s0  }
0x1ce: {  	[hbm4b:s0+s31] =	stream.linear.scatter [tilespmem:s2], [sflag:$0x8], $0x3000, $0x38;
	[tilespmem:$0x1D800] =	vst v63  }
0x1cf: {  	s0 =	simm.s32 $0x7  }
0x1d0: {  	_ =	swait.ge [sflag:s0], $0x3000  }
0x1d1: {  	[sflag:s0] =	ssyncset.done $0x0  }
0x1d2: {  	s1 =	simm.s32 $0x8;
	[sflag:s0] =	ssyncadd.s32 $0xFFFFD000  }
0x1d3: {  	_ =	swait.ge [sflag:s1], $0x3000  }
0x1d4: {  	s2 =	rddreg [dreg:$0x9]  }
0x1d5: {  	s31 =	rddreg [dreg:$0x7];
	s2 =	sadd.s32 $0x1, s2  }
0x1d6: {  	p0 =	sne.s32 s2, s31  }
.Ltmp5:
0x1d7: {  	_ = 	snop;
	(pc) =	sbr.rel @p0 .LBB2_1-.Ltmp5, $3  }
0x1d8: {  	_ =	sdelay $0x1  }
0x1d9: {  	[sflag:s1] =	ssyncset.done $0x0  }
0x1da: {  	[sflag:s1] =	ssyncadd.s32 $0xFFFFD000  }
0x1db: {  	_ =	sfence.sel $0x180000  }
0x1dc: {  	[bflag:$0x0] =	sbarrier.arrive $0xFFFF  }
0x1dd: {  	_ =	strace $0x90000047  }
0x1de: {  	s0 =	stileid.u32;
	[bflag:$0x2] =	sbarrier.arrive $0xFFFF  }
0x1df: {  	p0 =	sne.s32 s0, $0x0;
	s0 =	rddreg [dreg:$0x4]  }
0x1e0: {  	s0 =	sadd.s32 @!p0 $0x100000, s0  }
0x1e1: {  	[sflag:s0] =	ssyncadd.tile.s32 @!p0 $0x1;
	_ =	shalt  }
.Lfunc_end2:
_tile_overlayer_lowered:
.L_overlay_start_2:
0x1e2: {  	(tag) =	ssettag $0x2  }
0x1e3: {  	s0 =	rddreg [dreg:$0x0];
	s2 =	stileid.u32  }
0x1e4: {  	s1 =	rddreg [dreg:$0x1];
	p0 =	sne.s32 s2, $0x0  }
0x1e5: {  	s3 =	rddreg [dreg:$0x2];
	[bflag:$0x3] =	sbarrier.arrive $0xFFFF;
	s2 =	simm.s32 @!p0 $0x1C09  }
0x1e6: {  	[timem:s3], [sflag:s2] =	dma.local @!p0 [hbm:s0], s1  }
0x1e7: {  	s0 =	simm.s32 @!p0 $0x9  }
0x1e8: {  	_ =	swait.ge @!p0 [sflag:s0], s1  }
0x1e9: {  	s1 =	ssub.s32 @!p0 $0x0, s1;
	[sflag:s0] =	ssyncset.done @!p0 $0x0  }
0x1ea: {  	[sflag:s0] =	ssyncadd.s32 @!p0 s1  }
0x1eb: {  	[bflag:$0x3] =	sbarrier.arrive $0xFFFF  }
0x1ec: {  	_ =	shalt  }

</sc_bundles>
